<compile_context>
chip_gen: v7x
topology: tpu7x:2x2x1
jax: 0.10.2.dev20260603
libtpu: 0.0.44.dev20260713+nightly
codegen_flags: <defaults>
</compile_context>

<pallas_src>
import functools

import jax
import jax.numpy as jnp
from jax import lax
from jax.experimental import pallas as pl
from jax.experimental.pallas import tpu as pltpu
from jax.experimental.pallas import tpu_sc as plsc

CBE = 0.1
L = 16
NC = 2
NS = 16
NW = NC * NS
BLK = 128


def _table_body(counts_ref, out_ref):
    out_ref[...] = CBE * lax.rsqrt(counts_ref[...] + 1.0)


def _make_sc_kernel(n, b0, b1, per_w):
    mesh = plsc.VectorSubcoreMesh(core_axis_name="c", subcore_axis_name="s")
    blocks_per_w = per_w // BLK

    @functools.partial(
        pl.kernel,
        mesh=mesh,
        out_type=jax.ShapeDtypeStruct((n,), jnp.float32),
        compiler_params=pltpu.CompilerParams(
            needs_layout_passes=False, use_tc_tiling_on_sc=False),
        scratch_types=[
            pltpu.VMEM((b0, b1), jnp.float32),
            pltpu.VMEM((blocks_per_w, 2, BLK), jnp.float32),
            pltpu.VMEM((per_w,), jnp.float32),
            pltpu.VMEM((4 * L,), jnp.float32),
        ],
    )
    def sc_kernel(table_hbm, obs_hbm, params_hbm, out_hbm,
                  table_v, obs_v, out_v, params_v):
        wid = lax.axis_index("s") * NC + lax.axis_index("c")
        base_b = wid * blocks_per_w
        pltpu.sync_copy(table_hbm, table_v)
        pltpu.sync_copy(params_hbm, params_v)
        pltpu.sync_copy(obs_hbm.at[pl.ds(base_b, blocks_per_w)], obs_v)

        scale_x = params_v[pl.ds(0 * L, L)]
        scale_y = params_v[pl.ds(1 * L, L)]
        hi_x = params_v[pl.ds(2 * L, L)]
        hi_y = params_v[pl.ds(3 * L, L)]

        @plsc.parallel_loop(0, blocks_per_w, unroll=4)
        def body(b):
            for g in range(BLK // L):
                x = obs_v[b, 0, pl.ds(g * L, L)]
                y = obs_v[b, 1, pl.ds(g * L, L)]
                sx = x * scale_x
                sy = y * scale_y
                sx = jnp.where(sx >= hi_x, sx - 1.0, sx)
                sy = jnp.where(sy >= hi_y, sy - 1.0, sy)
                bx = sx.astype(jnp.int32)
                by = sy.astype(jnp.int32)
                out_v[pl.ds(b * BLK + g * L, L)] = plsc.load_gather(
                    table_v, [bx, by])

        pltpu.sync_copy(out_v, out_hbm.at[pl.ds(wid * per_w, per_w)])

    return sc_kernel


def kernel(ob_no, counts, obs_low, obs_high):
    n, obs_dim = ob_no.shape
    b0, b1 = counts.shape
    assert obs_dim == 2
    assert n % (NW * BLK) == 0
    per_w = n // NW

    bonus = pl.pallas_call(
        _table_body,
        out_shape=jax.ShapeDtypeStruct((b0, b1), jnp.float32),
    )(counts)

    scale = obs_high - obs_low
    params = jnp.concatenate([
        jnp.full((L,), scale[0], jnp.float32),
        jnp.full((L,), scale[1], jnp.float32),
        jnp.full((L,), obs_high[0], jnp.float32),
        jnp.full((L,), obs_high[1], jnp.float32),
    ])

    obs_blocked = ob_no.reshape(n // BLK, BLK, 2).transpose(0, 2, 1)

    sc = _make_sc_kernel(n, b0, b1, per_w)
    return sc(bonus, obs_blocked, params)

# --- scband reference (transcript-rebuilt; emitter-appended) ---
"""Pipeline reference for scband-count-based-model-84413287235594 (READ-ONLY COPY).

The authoritative reference and input builder live on the scoring server;
editing this copy changes nothing except your own understanding.
"""

import jax, jax.numpy as jnp
import numpy as np

N = 1048576
OBS_DIM = 2
BINS = 100
CBE = 0.1

def setup_inputs(seed: int = 0) -> dict:
    key = jax.random.key(seed)
    k1, k2 = jax.random.split(key)
    # normalized observations in [0, 1), as the original code scales by (high - low)
    ob_no = jax.random.uniform(k1, (N, OBS_DIM), dtype=jnp.float32)
    # learned/accumulated state: visitation counts table sized by (high - low).astype(int)
    counts = jax.random.randint(k2, (BINS, BINS), 0, 1000).astype(jnp.float32)
    obs_low = jnp.zeros((OBS_DIM,), dtype=jnp.float32)
    obs_high = jnp.full((OBS_DIM,), float(BINS), dtype=jnp.float32)
    return {"ob_no": ob_no, "counts": counts, "obs_low": obs_low, "obs_high": obs_high}

def reference(ob_no, counts, obs_low, obs_high):
    # _get_ob_bin: scale, clamp the exact-boundary case, floor to integer bins
    scaled = ob_no * (obs_high - obs_low)
    scaled = jnp.where(scaled >= obs_high, scaled - 1.0, scaled)
    bins = jnp.floor(scaled).astype(jnp.int32)
    # forward_np: gather counts at the bin tuple, +1, bonus = c / sqrt(count)
    ob_counts = counts[bins[:, 0], bins[:, 1]] + 1.0
    return CBE / jnp.sqrt(ob_counts)

if __name__ == "__main__":
    import jax
    _d = setup_inputs()
    print(jax.jit(kernel)(*tuple(_d.values())))

</pallas_src>

<mosaic_0001>
#map = affine_map<(d0, d1) -> (0, 0)>
#map1 = affine_map<(d0, d1) -> (0, 0, 0)>
#map2 = affine_map<(d0, d1) -> (0)>
module attributes {stable_mosaic.version = 14 : i64} {
  func.func @sc_kernel(%arg0: i32, %arg1: i32, %arg2: memref<100x100xf32, #tpu.memory_space<hbm>>, %arg3: memref<8192x2x128xf32, #tpu.memory_space<hbm>>, %arg4: memref<64xf32, #tpu.memory_space<hbm>>, %arg5: memref<1048576xf32, #tpu.memory_space<hbm>>, %arg6: memref<100x100xf32, #tpu.memory_space<vmem>>, %arg7: memref<256x2x128xf32, #tpu.memory_space<vmem>>, %arg8: memref<32768xf32, #tpu.memory_space<vmem>>, %arg9: memref<64xf32, #tpu.memory_space<vmem>>) attributes {dimension_semantics = [#tpu.dimension_semantics<core_parallel>, #tpu.dimension_semantics<subcore_parallel>], iteration_bounds = array<i64: 2, 16>, scalar_prefetch = 0 : i64, scratch_operands = 4 : i64, tpu.core_type = #tpu.core_type<sc_vector_subcore>, window_params = [{transform_indices = #map}, {transform_indices = #map1}, {transform_indices = #map2}, {transform_indices = #map2}]} {
    %mul3A = arith.constant 2 : i32
    %mul3A_0 = arith.muli %arg1, %mul3A : i32
    %add3A = arith.addi %mul3A_0, %arg0 : i32
    %mul3A_1 = arith.constant 256 : i32
    %mul3A_2 = arith.muli %add3A, %mul3A_1 : i32
    "tpu.region"() ({
      %run_scoped3A = tpu.sem_alloc : memref<!tpu.dma_semaphore, #tpu.memory_space<semaphore_mem>>
      tpu.enqueue_dma source(%arg2 : memref<100x100xf32, #tpu.memory_space<hbm>>) target(%arg6 : memref<100x100xf32, #tpu.memory_space<vmem>>) target_semaphore(%run_scoped3A : memref<!tpu.dma_semaphore, #tpu.memory_space<semaphore_mem>>)
      tpu.wait_dma2 semaphore(%run_scoped3A : memref<!tpu.dma_semaphore, #tpu.memory_space<semaphore_mem>>) src(%arg2 : memref<100x100xf32, #tpu.memory_space<hbm>>) dst(%arg6 : memref<100x100xf32, #tpu.memory_space<vmem>>)
      tpu.yield
    }) : () -> ()
    "tpu.region"() ({
      %run_scoped3A = tpu.sem_alloc : memref<!tpu.dma_semaphore, #tpu.memory_space<semaphore_mem>>
      tpu.enqueue_dma source(%arg4 : memref<64xf32, #tpu.memory_space<hbm>>) target(%arg9 : memref<64xf32, #tpu.memory_space<vmem>>) target_semaphore(%run_scoped3A : memref<!tpu.dma_semaphore, #tpu.memory_space<semaphore_mem>>)
      tpu.wait_dma2 semaphore(%run_scoped3A : memref<!tpu.dma_semaphore, #tpu.memory_space<semaphore_mem>>) src(%arg4 : memref<64xf32, #tpu.memory_space<hbm>>) dst(%arg9 : memref<64xf32, #tpu.memory_space<vmem>>)
      tpu.yield
    }) : () -> ()
    "tpu.region"() ({
      %run_scoped3A = tpu.sem_alloc : memref<!tpu.dma_semaphore, #tpu.memory_space<semaphore_mem>>
      %dma_start3A = arith.constant 0 : i32
      %dma_start3A_14 = arith.constant 0 : i32
      %dma_start3A_15 = tpu.memref_slice %arg3[%mul3A_2, %dma_start3A, %dma_start3A_14] : memref<8192x2x128xf32, #tpu.memory_space<hbm>> -> memref<256x2x128xf32, #tpu.memory_space<hbm>>
      %dma_start3A_16 = arith.constant 0 : i32
      %dma_start3A_17 = arith.constant 0 : i32
      %dma_start3A_18 = tpu.memref_slice %arg3[%mul3A_2, %dma_start3A_16, %dma_start3A_17] : memref<8192x2x128xf32, #tpu.memory_space<hbm>> -> memref<256x2x128xf32, #tpu.memory_space<hbm>>
      tpu.enqueue_dma source(%dma_start3A_18 : memref<256x2x128xf32, #tpu.memory_space<hbm>>) target(%arg7 : memref<256x2x128xf32, #tpu.memory_space<vmem>>) target_semaphore(%run_scoped3A : memref<!tpu.dma_semaphore, #tpu.memory_space<semaphore_mem>>)
      %dma_wait3A = arith.constant 0 : i32
      %dma_wait3A_19 = arith.constant 0 : i32
      %dma_wait3A_20 = tpu.memref_slice %arg3[%mul3A_2, %dma_wait3A, %dma_wait3A_19] : memref<8192x2x128xf32, #tpu.memory_space<hbm>> -> memref<256x2x128xf32, #tpu.memory_space<hbm>>
      %dma_wait3A_21 = arith.constant 0 : i32
      %dma_wait3A_22 = arith.constant 0 : i32
      %dma_wait3A_23 = tpu.memref_slice %arg3[%mul3A_2, %dma_wait3A_21, %dma_wait3A_22] : memref<8192x2x128xf32, #tpu.memory_space<hbm>> -> memref<256x2x128xf32, #tpu.memory_space<hbm>>
      tpu.wait_dma2 semaphore(%run_scoped3A : memref<!tpu.dma_semaphore, #tpu.memory_space<semaphore_mem>>) src(%dma_wait3A_23 : memref<256x2x128xf32, #tpu.memory_space<hbm>>) dst(%arg7 : memref<256x2x128xf32, #tpu.memory_space<vmem>>)
      tpu.yield
    }) : () -> ()
    %get3A = arith.constant 0 : index
    %get3A_3 = tpu.vector_load %arg9[%get3A] {strides = array<i32>} : memref<64xf32, #tpu.memory_space<vmem>>, vector<16xf32>,
    %get3A_4 = arith.constant 16 : index
    %get3A_5 = tpu.vector_load %arg9[%get3A_4] {strides = array<i32>} : memref<64xf32, #tpu.memory_space<vmem>>, vector<16xf32>,
    %get3A_6 = arith.constant 32 : index
    %get3A_7 = tpu.vector_load %arg9[%get3A_6] {strides = array<i32>} : memref<64xf32, #tpu.memory_space<vmem>>, vector<16xf32>,
    %get3A_8 = arith.constant 48 : index
    %get3A_9 = tpu.vector_load %arg9[%get3A_8] {strides = array<i32>} : memref<64xf32, #tpu.memory_space<vmem>>, vector<16xf32>,
    %parallel_loop3A = arith.constant 0 : i32
    %parallel_loop3A_10 = arith.constant 256 : i32
    %parallel_loop3A_11 = arith.constant 1 : i32
    scf.for %parallel_loop3A_14 = %parallel_loop3A to %parallel_loop3A_10 step %parallel_loop3A_11  : i32 {
      %parallel_loop3A_15 = arith.constant 0 : i32
      %parallel_loop3A_16 = arith.index_cast %parallel_loop3A_14 : i32 to index
      %parallel_loop3A_17 = arith.index_cast %parallel_loop3A_15 : i32 to index
      %parallel_loop3A_18 = arith.constant 0 : index
      %parallel_loop3A_19 = tpu.vector_load %arg7[%parallel_loop3A_16, %parallel_loop3A_17, %parallel_loop3A_18] {strides = array<i32>} : memref<256x2x128xf32, #tpu.memory_space<vmem>>, vector<16xf32>,
      %parallel_loop3A_20 = arith.constant 1 : i32
      %parallel_loop3A_21 = arith.index_cast %parallel_loop3A_14 : i32 to index
      %parallel_loop3A_22 = arith.index_cast %parallel_loop3A_20 : i32 to index
      %parallel_loop3A_23 = arith.constant 0 : index
      %parallel_loop3A_24 = tpu.vector_load %arg7[%parallel_loop3A_21, %parallel_loop3A_22, %parallel_loop3A_23] {strides = array<i32>} : memref<256x2x128xf32, #tpu.memory_space<vmem>>, vector<16xf32>,
      %parallel_loop3A_25 = arith.mulf %parallel_loop3A_19, %get3A_3 : vector<16xf32>
      %parallel_loop3A_26 = arith.mulf %parallel_loop3A_24, %get3A_5 : vector<16xf32>
      %parallel_loop3A_27 = arith.cmpf oge, %parallel_loop3A_25, %get3A_7 : vector<16xf32>
      %parallel_loop3A_28 = arith.constant 1.000000e+00 : f32
      %parallel_loop3A_29 = vector.broadcast %parallel_loop3A_28 : f32 to vector<16xf32>
      %parallel_loop3A_30 = arith.subf %parallel_loop3A_25, %parallel_loop3A_29 : vector<16xf32>
      %parallel_loop3A_31 = arith.select %parallel_loop3A_27, %parallel_loop3A_30, %parallel_loop3A_25 : vector<16xi1>, vector<16xf32>
      %parallel_loop3A_32 = arith.cmpf oge, %parallel_loop3A_26, %get3A_9 : vector<16xf32>
      %parallel_loop3A_33 = arith.constant 1.000000e+00 : f32
      %parallel_loop3A_34 = vector.broadcast %parallel_loop3A_33 : f32 to vector<16xf32>
      %parallel_loop3A_35 = arith.subf %parallel_loop3A_26, %parallel_loop3A_34 : vector<16xf32>
      %parallel_loop3A_36 = arith.select %parallel_loop3A_32, %parallel_loop3A_35, %parallel_loop3A_26 : vector<16xi1>, vector<16xf32>
      %parallel_loop3A_37 = arith.fptosi %parallel_loop3A_31 : vector<16xf32> to vector<16xi32>
      %parallel_loop3A_38 = arith.fptosi %parallel_loop3A_36 : vector<16xf32> to vector<16xi32>
      %parallel_loop3A_39 = tpu.vector_load_idx %arg6[%parallel_loop3A_37, %parallel_loop3A_38] : memref<100x100xf32, #tpu.memory_space<vmem>>[vector<16xi32>, vector<16xi32>], vector<16xf32>,
      %parallel_loop3A_40 = arith.constant 128 : i32
      %parallel_loop3A_41 = arith.muli %parallel_loop3A_14, %parallel_loop3A_40 : i32
      %parallel_loop3A_42 = arith.constant 0 : i32
      %parallel_loop3A_43 = arith.addi %parallel_loop3A_41, %parallel_loop3A_42 : i32
      %parallel_loop3A_44 = arith.index_cast %parallel_loop3A_43 : i32 to index
      %parallel_loop3A_45 = tpu.vector_load %arg8[%parallel_loop3A_44] {strides = array<i32>} : memref<32768xf32, #tpu.memory_space<vmem>>, vector<16xf32>,
      tpu.vector_store %arg8[%parallel_loop3A_44], %parallel_loop3A_39 {strides = array<i32>} : memref<32768xf32, #tpu.memory_space<vmem>>, vector<16xf32>,
      %parallel_loop3A_46 = arith.constant 0 : i32
      %parallel_loop3A_47 = arith.index_cast %parallel_loop3A_14 : i32 to index
      %parallel_loop3A_48 = arith.index_cast %parallel_loop3A_46 : i32 to index
      %parallel_loop3A_49 = arith.constant 16 : index
      %parallel_loop3A_50 = tpu.vector_load %arg7[%parallel_loop3A_47, %parallel_loop3A_48, %parallel_loop3A_49] {strides = array<i32>} : memref<256x2x128xf32, #tpu.memory_space<vmem>>, vector<16xf32>,
      %parallel_loop3A_51 = arith.constant 1 : i32
      %parallel_loop3A_52 = arith.index_cast %parallel_loop3A_14 : i32 to index
      %parallel_loop3A_53 = arith.index_cast %parallel_loop3A_51 : i32 to index
      %parallel_loop3A_54 = arith.constant 16 : index
      %parallel_loop3A_55 = tpu.vector_load %arg7[%parallel_loop3A_52, %parallel_loop3A_53, %parallel_loop3A_54] {strides = array<i32>} : memref<256x2x128xf32, #tpu.memory_space<vmem>>, vector<16xf32>,
      %parallel_loop3A_56 = arith.mulf %parallel_loop3A_50, %get3A_3 : vector<16xf32>
      %parallel_loop3A_57 = arith.mulf %parallel_loop3A_55, %get3A_5 : vector<16xf32>
      %parallel_loop3A_58 = arith.cmpf oge, %parallel_loop3A_56, %get3A_7 : vector<16xf32>
      %parallel_loop3A_59 = arith.constant 1.000000e+00 : f32
      %parallel_loop3A_60 = vector.broadcast %parallel_loop3A_59 : f32 to vector<16xf32>
      %parallel_loop3A_61 = arith.subf %parallel_loop3A_56, %parallel_loop3A_60 : vector<16xf32>
      %parallel_loop3A_62 = arith.select %parallel_loop3A_58, %parallel_loop3A_61, %parallel_loop3A_56 : vector<16xi1>, vector<16xf32>
      %parallel_loop3A_63 = arith.cmpf oge, %parallel_loop3A_57, %get3A_9 : vector<16xf32>
      %parallel_loop3A_64 = arith.constant 1.000000e+00 : f32
      %parallel_loop3A_65 = vector.broadcast %parallel_loop3A_64 : f32 to vector<16xf32>
      %parallel_loop3A_66 = arith.subf %parallel_loop3A_57, %parallel_loop3A_65 : vector<16xf32>
      %parallel_loop3A_67 = arith.select %parallel_loop3A_63, %parallel_loop3A_66, %parallel_loop3A_57 : vector<16xi1>, vector<16xf32>
      %parallel_loop3A_68 = arith.fptosi %parallel_loop3A_62 : vector<16xf32> to vector<16xi32>
      %parallel_loop3A_69 = arith.fptosi %parallel_loop3A_67 : vector<16xf32> to vector<16xi32>
      %parallel_loop3A_70 = tpu.vector_load_idx %arg6[%parallel_loop3A_68, %parallel_loop3A_69] : memref<100x100xf32, #tpu.memory_space<vmem>>[vector<16xi32>, vector<16xi32>], vector<16xf32>,
      %parallel_loop3A_71 = arith.constant 128 : i32
      %parallel_loop3A_72 = arith.muli %parallel_loop3A_14, %parallel_loop3A_71 : i32
      %parallel_loop3A_73 = arith.constant 16 : i32
      %parallel_loop3A_74 = arith.addi %parallel_loop3A_72, %parallel_loop3A_73 : i32
      %parallel_loop3A_75 = arith.index_cast %parallel_loop3A_74 : i32 to index
      %parallel_loop3A_76 = tpu.vector_load %arg8[%parallel_loop3A_75] {strides = array<i32>} : memref<32768xf32, #tpu.memory_space<vmem>>, vector<16xf32>,
      tpu.vector_store %arg8[%parallel_loop3A_75], %parallel_loop3A_70 {strides = array<i32>} : memref<32768xf32, #tpu.memory_space<vmem>>, vector<16xf32>,
      %parallel_loop3A_77 = arith.constant 0 : i32
      %parallel_loop3A_78 = arith.index_cast %parallel_loop3A_14 : i32 to index
      %parallel_loop3A_79 = arith.index_cast %parallel_loop3A_77 : i32 to index
      %parallel_loop3A_80 = arith.constant 32 : index
      %parallel_loop3A_81 = tpu.vector_load %arg7[%parallel_loop3A_78, %parallel_loop3A_79, %parallel_loop3A_80] {strides = array<i32>} : memref<256x2x128xf32, #tpu.memory_space<vmem>>, vector<16xf32>,
      %parallel_loop3A_82 = arith.constant 1 : i32
      %parallel_loop3A_83 = arith.index_cast %parallel_loop3A_14 : i32 to index
      %parallel_loop3A_84 = arith.index_cast %parallel_loop3A_82 : i32 to index
      %parallel_loop3A_85 = arith.constant 32 : index
      %parallel_loop3A_86 = tpu.vector_load %arg7[%parallel_loop3A_83, %parallel_loop3A_84, %parallel_loop3A_85] {strides = array<i32>} : memref<256x2x128xf32, #tpu.memory_space<vmem>>, vector<16xf32>,
      %parallel_loop3A_87 = arith.mulf %parallel_loop3A_81, %get3A_3 : vector<16xf32>
      %parallel_loop3A_88 = arith.mulf %parallel_loop3A_86, %get3A_5 : vector<16xf32>
      %parallel_loop3A_89 = arith.cmpf oge, %parallel_loop3A_87, %get3A_7 : vector<16xf32>
      %parallel_loop3A_90 = arith.constant 1.000000e+00 : f32
      %parallel_loop3A_91 = vector.broadcast %parallel_loop3A_90 : f32 to vector<16xf32>
      %parallel_loop3A_92 = arith.subf %parallel_loop3A_87, %parallel_loop3A_91 : vector<16xf32>
      %parallel_loop3A_93 = arith.select %parallel_loop3A_89, %parallel_loop3A_92, %parallel_loop3A_87 : vector<16xi1>, vector<16xf32>
      %parallel_loop3A_94 = arith.cmpf oge, %parallel_loop3A_88, %get3A_9 : vector<16xf32>
      %parallel_loop3A_95 = arith.constant 1.000000e+00 : f32
      %parallel_loop3A_96 = vector.broadcast %parallel_loop3A_95 : f32 to vector<16xf32>
      %parallel_loop3A_97 = arith.subf %parallel_loop3A_88, %parallel_loop3A_96 : vector<16xf32>
      %parallel_loop3A_98 = arith.select %parallel_loop3A_94, %parallel_loop3A_97, %parallel_loop3A_88 : vector<16xi1>, vector<16xf32>
      %parallel_loop3A_99 = arith.fptosi %parallel_loop3A_93 : vector<16xf32> to vector<16xi32>
      %parallel_loop3A_100 = arith.fptosi %parallel_loop3A_98 : vector<16xf32> to vector<16xi32>
      %parallel_loop3A_101 = tpu.vector_load_idx %arg6[%parallel_loop3A_99, %parallel_loop3A_100] : memref<100x100xf32, #tpu.memory_space<vmem>>[vector<16xi32>, vector<16xi32>], vector<16xf32>,
      %parallel_loop3A_102 = arith.constant 128 : i32
      %parallel_loop3A_103 = arith.muli %parallel_loop3A_14, %parallel_loop3A_102 : i32
      %parallel_loop3A_104 = arith.constant 32 : i32
      %parallel_loop3A_105 = arith.addi %parallel_loop3A_103, %parallel_loop3A_104 : i32
      %parallel_loop3A_106 = arith.index_cast %parallel_loop3A_105 : i32 to index
      %parallel_loop3A_107 = tpu.vector_load %arg8[%parallel_loop3A_106] {strides = array<i32>} : memref<32768xf32, #tpu.memory_space<vmem>>, vector<16xf32>,
      tpu.vector_store %arg8[%parallel_loop3A_106], %parallel_loop3A_101 {strides = array<i32>} : memref<32768xf32, #tpu.memory_space<vmem>>, vector<16xf32>,
      %parallel_loop3A_108 = arith.constant 0 : i32
      %parallel_loop3A_109 = arith.index_cast %parallel_loop3A_14 : i32 to index
      %parallel_loop3A_110 = arith.index_cast %parallel_loop3A_108 : i32 to index
      %parallel_loop3A_111 = arith.constant 48 : index
      %parallel_loop3A_112 = tpu.vector_load %arg7[%parallel_loop3A_109, %parallel_loop3A_110, %parallel_loop3A_111] {strides = array<i32>} : memref<256x2x128xf32, #tpu.memory_space<vmem>>, vector<16xf32>,
      %parallel_loop3A_113 = arith.constant 1 : i32
      %parallel_loop3A_114 = arith.index_cast %parallel_loop3A_14 : i32 to index
      %parallel_loop3A_115 = arith.index_cast %parallel_loop3A_113 : i32 to index
      %parallel_loop3A_116 = arith.constant 48 : index
      %parallel_loop3A_117 = tpu.vector_load %arg7[%parallel_loop3A_114, %parallel_loop3A_115, %parallel_loop3A_116] {strides = array<i32>} : memref<256x2x128xf32, #tpu.memory_space<vmem>>, vector<16xf32>,
      %parallel_loop3A_118 = arith.mulf %parallel_loop3A_112, %get3A_3 : vector<16xf32>
      %parallel_loop3A_119 = arith.mulf %parallel_loop3A_117, %get3A_5 : vector<16xf32>
      %parallel_loop3A_120 = arith.cmpf oge, %parallel_loop3A_118, %get3A_7 : vector<16xf32>
      %parallel_loop3A_121 = arith.constant 1.000000e+00 : f32
      %parallel_loop3A_122 = vector.broadcast %parallel_loop3A_121 : f32 to vector<16xf32>
      %parallel_loop3A_123 = arith.subf %parallel_loop3A_118, %parallel_loop3A_122 : vector<16xf32>
      %parallel_loop3A_124 = arith.select %parallel_loop3A_120, %parallel_loop3A_123, %parallel_loop3A_118 : vector<16xi1>, vector<16xf32>
      %parallel_loop3A_125 = arith.cmpf oge, %parallel_loop3A_119, %get3A_9 : vector<16xf32>
      %parallel_loop3A_126 = arith.constant 1.000000e+00 : f32
      %parallel_loop3A_127 = vector.broadcast %parallel_loop3A_126 : f32 to vector<16xf32>
      %parallel_loop3A_128 = arith.subf %parallel_loop3A_119, %parallel_loop3A_127 : vector<16xf32>
      %parallel_loop3A_129 = arith.select %parallel_loop3A_125, %parallel_loop3A_128, %parallel_loop3A_119 : vector<16xi1>, vector<16xf32>
      %parallel_loop3A_130 = arith.fptosi %parallel_loop3A_124 : vector<16xf32> to vector<16xi32>
      %parallel_loop3A_131 = arith.fptosi %parallel_loop3A_129 : vector<16xf32> to vector<16xi32>
      %parallel_loop3A_132 = tpu.vector_load_idx %arg6[%parallel_loop3A_130, %parallel_loop3A_131] : memref<100x100xf32, #tpu.memory_space<vmem>>[vector<16xi32>, vector<16xi32>], vector<16xf32>,
      %parallel_loop3A_133 = arith.constant 128 : i32
      %parallel_loop3A_134 = arith.muli %parallel_loop3A_14, %parallel_loop3A_133 : i32
      %parallel_loop3A_135 = arith.constant 48 : i32
      %parallel_loop3A_136 = arith.addi %parallel_loop3A_134, %parallel_loop3A_135 : i32
      %parallel_loop3A_137 = arith.index_cast %parallel_loop3A_136 : i32 to index
      %parallel_loop3A_138 = tpu.vector_load %arg8[%parallel_loop3A_137] {strides = array<i32>} : memref<32768xf32, #tpu.memory_space<vmem>>, vector<16xf32>,
      tpu.vector_store %arg8[%parallel_loop3A_137], %parallel_loop3A_132 {strides = array<i32>} : memref<32768xf32, #tpu.memory_space<vmem>>, vector<16xf32>,
      %parallel_loop3A_139 = arith.constant 0 : i32
      %parallel_loop3A_140 = arith.index_cast %parallel_loop3A_14 : i32 to index
      %parallel_loop3A_141 = arith.index_cast %parallel_loop3A_139 : i32 to index
      %parallel_loop3A_142 = arith.constant 64 : index
      %parallel_loop3A_143 = tpu.vector_load %arg7[%parallel_loop3A_140, %parallel_loop3A_141, %parallel_loop3A_142] {strides = array<i32>} : memref<256x2x128xf32, #tpu.memory_space<vmem>>, vector<16xf32>,
      %parallel_loop3A_144 = arith.constant 1 : i32
      %parallel_loop3A_145 = arith.index_cast %parallel_loop3A_14 : i32 to index
      %parallel_loop3A_146 = arith.index_cast %parallel_loop3A_144 : i32 to index
      %parallel_loop3A_147 = arith.constant 64 : index
      %parallel_loop3A_148 = tpu.vector_load %arg7[%parallel_loop3A_145, %parallel_loop3A_146, %parallel_loop3A_147] {strides = array<i32>} : memref<256x2x128xf32, #tpu.memory_space<vmem>>, vector<16xf32>,
      %parallel_loop3A_149 = arith.mulf %parallel_loop3A_143, %get3A_3 : vector<16xf32>
      %parallel_loop3A_150 = arith.mulf %parallel_loop3A_148, %get3A_5 : vector<16xf32>
      %parallel_loop3A_151 = arith.cmpf oge, %parallel_loop3A_149, %get3A_7 : vector<16xf32>
      %parallel_loop3A_152 = arith.constant 1.000000e+00 : f32
      %parallel_loop3A_153 = vector.broadcast %parallel_loop3A_152 : f32 to vector<16xf32>
      %parallel_loop3A_154 = arith.subf %parallel_loop3A_149, %parallel_loop3A_153 : vector<16xf32>
      %parallel_loop3A_155 = arith.select %parallel_loop3A_151, %parallel_loop3A_154, %parallel_loop3A_149 : vector<16xi1>, vector<16xf32>
      %parallel_loop3A_156 = arith.cmpf oge, %parallel_loop3A_150, %get3A_9 : vector<16xf32>
      %parallel_loop3A_157 = arith.constant 1.000000e+00 : f32
      %parallel_loop3A_158 = vector.broadcast %parallel_loop3A_157 : f32 to vector<16xf32>
      %parallel_loop3A_159 = arith.subf %parallel_loop3A_150, %parallel_loop3A_158 : vector<16xf32>
      %parallel_loop3A_160 = arith.select %parallel_loop3A_156, %parallel_loop3A_159, %parallel_loop3A_150 : vector<16xi1>, vector<16xf32>
      %parallel_loop3A_161 = arith.fptosi %parallel_loop3A_155 : vector<16xf32> to vector<16xi32>
      %parallel_loop3A_162 = arith.fptosi %parallel_loop3A_160 : vector<16xf32> to vector<16xi32>
      %parallel_loop3A_163 = tpu.vector_load_idx %arg6[%parallel_loop3A_161, %parallel_loop3A_162] : memref<100x100xf32, #tpu.memory_space<vmem>>[vector<16xi32>, vector<16xi32>], vector<16xf32>,
      %parallel_loop3A_164 = arith.constant 128 : i32
      %parallel_loop3A_165 = arith.muli %parallel_loop3A_14, %parallel_loop3A_164 : i32
      %parallel_loop3A_166 = arith.constant 64 : i32
      %parallel_loop3A_167 = arith.addi %parallel_loop3A_165, %parallel_loop3A_166 : i32
      %parallel_loop3A_168 = arith.index_cast %parallel_loop3A_167 : i32 to index
      %parallel_loop3A_169 = tpu.vector_load %arg8[%parallel_loop3A_168] {strides = array<i32>} : memref<32768xf32, #tpu.memory_space<vmem>>, vector<16xf32>,
      tpu.vector_store %arg8[%parallel_loop3A_168], %parallel_loop3A_163 {strides = array<i32>} : memref<32768xf32, #tpu.memory_space<vmem>>, vector<16xf32>,
      %parallel_loop3A_170 = arith.constant 0 : i32
      %parallel_loop3A_171 = arith.index_cast %parallel_loop3A_14 : i32 to index
      %parallel_loop3A_172 = arith.index_cast %parallel_loop3A_170 : i32 to index
      %parallel_loop3A_173 = arith.constant 80 : index
      %parallel_loop3A_174 = tpu.vector_load %arg7[%parallel_loop3A_171, %parallel_loop3A_172, %parallel_loop3A_173] {strides = array<i32>} : memref<256x2x128xf32, #tpu.memory_space<vmem>>, vector<16xf32>,
      %parallel_loop3A_175 = arith.constant 1 : i32
      %parallel_loop3A_176 = arith.index_cast %parallel_loop3A_14 : i32 to index
      %parallel_loop3A_177 = arith.index_cast %parallel_loop3A_175 : i32 to index
      %parallel_loop3A_178 = arith.constant 80 : index
      %parallel_loop3A_179 = tpu.vector_load %arg7[%parallel_loop3A_176, %parallel_loop3A_177, %parallel_loop3A_178] {strides = array<i32>} : memref<256x2x128xf32, #tpu.memory_space<vmem>>, vector<16xf32>,
      %parallel_loop3A_180 = arith.mulf %parallel_loop3A_174, %get3A_3 : vector<16xf32>
      %parallel_loop3A_181 = arith.mulf %parallel_loop3A_179, %get3A_5 : vector<16xf32>
      %parallel_loop3A_182 = arith.cmpf oge, %parallel_loop3A_180, %get3A_7 : vector<16xf32>
      %parallel_loop3A_183 = arith.constant 1.000000e+00 : f32
      %parallel_loop3A_184 = vector.broadcast %parallel_loop3A_183 : f32 to vector<16xf32>
      %parallel_loop3A_185 = arith.subf %parallel_loop3A_180, %parallel_loop3A_184 : vector<16xf32>
      %parallel_loop3A_186 = arith.select %parallel_loop3A_182, %parallel_loop3A_185, %parallel_loop3A_180 : vector<16xi1>, vector<16xf32>
      %parallel_loop3A_187 = arith.cmpf oge, %parallel_loop3A_181, %get3A_9 : vector<16xf32>
      %parallel_loop3A_188 = arith.constant 1.000000e+00 : f32
      %parallel_loop3A_189 = vector.broadcast %parallel_loop3A_188 : f32 to vector<16xf32>
      %parallel_loop3A_190 = arith.subf %parallel_loop3A_181, %parallel_loop3A_189 : vector<16xf32>
      %parallel_loop3A_191 = arith.select %parallel_loop3A_187, %parallel_loop3A_190, %parallel_loop3A_181 : vector<16xi1>, vector<16xf32>
      %parallel_loop3A_192 = arith.fptosi %parallel_loop3A_186 : vector<16xf32> to vector<16xi32>
      %parallel_loop3A_193 = arith.fptosi %parallel_loop3A_191 : vector<16xf32> to vector<16xi32>
      %parallel_loop3A_194 = tpu.vector_load_idx %arg6[%parallel_loop3A_192, %parallel_loop3A_193] : memref<100x100xf32, #tpu.memory_space<vmem>>[vector<16xi32>, vector<16xi32>], vector<16xf32>,
      %parallel_loop3A_195 = arith.constant 128 : i32
      %parallel_loop3A_196 = arith.muli %parallel_loop3A_14, %parallel_loop3A_195 : i32
      %parallel_loop3A_197 = arith.constant 80 : i32
      %parallel_loop3A_198 = arith.addi %parallel_loop3A_196, %parallel_loop3A_197 : i32
      %parallel_loop3A_199 = arith.index_cast %parallel_loop3A_198 : i32 to index
      %parallel_loop3A_200 = tpu.vector_load %arg8[%parallel_loop3A_199] {strides = array<i32>} : memref<32768xf32, #tpu.memory_space<vmem>>, vector<16xf32>,
      tpu.vector_store %arg8[%parallel_loop3A_199], %parallel_loop3A_194 {strides = array<i32>} : memref<32768xf32, #tpu.memory_space<vmem>>, vector<16xf32>,
      %parallel_loop3A_201 = arith.constant 0 : i32
      %parallel_loop3A_202 = arith.index_cast %parallel_loop3A_14 : i32 to index
      %parallel_loop3A_203 = arith.index_cast %parallel_loop3A_201 : i32 to index
      %parallel_loop3A_204 = arith.constant 96 : index
      %parallel_loop3A_205 = tpu.vector_load %arg7[%parallel_loop3A_202, %parallel_loop3A_203, %parallel_loop3A_204] {strides = array<i32>} : memref<256x2x128xf32, #tpu.memory_space<vmem>>, vector<16xf32>,
      %parallel_loop3A_206 = arith.constant 1 : i32
      %parallel_loop3A_207 = arith.index_cast %parallel_loop3A_14 : i32 to index
      %parallel_loop3A_208 = arith.index_cast %parallel_loop3A_206 : i32 to index
      %parallel_loop3A_209 = arith.constant 96 : index
      %parallel_loop3A_210 = tpu.vector_load %arg7[%parallel_loop3A_207, %parallel_loop3A_208, %parallel_loop3A_209] {strides = array<i32>} : memref<256x2x128xf32, #tpu.memory_space<vmem>>, vector<16xf32>,
      %parallel_loop3A_211 = arith.mulf %parallel_loop3A_205, %get3A_3 : vector<16xf32>
      %parallel_loop3A_212 = arith.mulf %parallel_loop3A_210, %get3A_5 : vector<16xf32>
      %parallel_loop3A_213 = arith.cmpf oge, %parallel_loop3A_211, %get3A_7 : vector<16xf32>
      %parallel_loop3A_214 = arith.constant 1.000000e+00 : f32
      %parallel_loop3A_215 = vector.broadcast %parallel_loop3A_214 : f32 to vector<16xf32>
      %parallel_loop3A_216 = arith.subf %parallel_loop3A_211, %parallel_loop3A_215 : vector<16xf32>
      %parallel_loop3A_217 = arith.select %parallel_loop3A_213, %parallel_loop3A_216, %parallel_loop3A_211 : vector<16xi1>, vector<16xf32>
      %parallel_loop3A_218 = arith.cmpf oge, %parallel_loop3A_212, %get3A_9 : vector<16xf32>
      %parallel_loop3A_219 = arith.constant 1.000000e+00 : f32
      %parallel_loop3A_220 = vector.broadcast %parallel_loop3A_219 : f32 to vector<16xf32>
      %parallel_loop3A_221 = arith.subf %parallel_loop3A_212, %parallel_loop3A_220 : vector<16xf32>
      %parallel_loop3A_222 = arith.select %parallel_loop3A_218, %parallel_loop3A_221, %parallel_loop3A_212 : vector<16xi1>, vector<16xf32>
      %parallel_loop3A_223 = arith.fptosi %parallel_loop3A_217 : vector<16xf32> to vector<16xi32>
      %parallel_loop3A_224 = arith.fptosi %parallel_loop3A_222 : vector<16xf32> to vector<16xi32>
      %parallel_loop3A_225 = tpu.vector_load_idx %arg6[%parallel_loop3A_223, %parallel_loop3A_224] : memref<100x100xf32, #tpu.memory_space<vmem>>[vector<16xi32>, vector<16xi32>], vector<16xf32>,
      %parallel_loop3A_226 = arith.constant 128 : i32
      %parallel_loop3A_227 = arith.muli %parallel_loop3A_14, %parallel_loop3A_226 : i32
      %parallel_loop3A_228 = arith.constant 96 : i32
      %parallel_loop3A_229 = arith.addi %parallel_loop3A_227, %parallel_loop3A_228 : i32
      %parallel_loop3A_230 = arith.index_cast %parallel_loop3A_229 : i32 to index
      %parallel_loop3A_231 = tpu.vector_load %arg8[%parallel_loop3A_230] {strides = array<i32>} : memref<32768xf32, #tpu.memory_space<vmem>>, vector<16xf32>,
      tpu.vector_store %arg8[%parallel_loop3A_230], %parallel_loop3A_225 {strides = array<i32>} : memref<32768xf32, #tpu.memory_space<vmem>>, vector<16xf32>,
      %parallel_loop3A_232 = arith.constant 0 : i32
      %parallel_loop3A_233 = arith.index_cast %parallel_loop3A_14 : i32 to index
      %parallel_loop3A_234 = arith.index_cast %parallel_loop3A_232 : i32 to index
      %parallel_loop3A_235 = arith.constant 112 : index
      %parallel_loop3A_236 = tpu.vector_load %arg7[%parallel_loop3A_233, %parallel_loop3A_234, %parallel_loop3A_235] {strides = array<i32>} : memref<256x2x128xf32, #tpu.memory_space<vmem>>, vector<16xf32>,
      %parallel_loop3A_237 = arith.constant 1 : i32
      %parallel_loop3A_238 = arith.index_cast %parallel_loop3A_14 : i32 to index
      %parallel_loop3A_239 = arith.index_cast %parallel_loop3A_237 : i32 to index
      %parallel_loop3A_240 = arith.constant 112 : index
      %parallel_loop3A_241 = tpu.vector_load %arg7[%parallel_loop3A_238, %parallel_loop3A_239, %parallel_loop3A_240] {strides = array<i32>} : memref<256x2x128xf32, #tpu.memory_space<vmem>>, vector<16xf32>,
      %parallel_loop3A_242 = arith.mulf %parallel_loop3A_236, %get3A_3 : vector<16xf32>
      %parallel_loop3A_243 = arith.mulf %parallel_loop3A_241, %get3A_5 : vector<16xf32>
      %parallel_loop3A_244 = arith.cmpf oge, %parallel_loop3A_242, %get3A_7 : vector<16xf32>
      %parallel_loop3A_245 = arith.constant 1.000000e+00 : f32
      %parallel_loop3A_246 = vector.broadcast %parallel_loop3A_245 : f32 to vector<16xf32>
      %parallel_loop3A_247 = arith.subf %parallel_loop3A_242, %parallel_loop3A_246 : vector<16xf32>
      %parallel_loop3A_248 = arith.select %parallel_loop3A_244, %parallel_loop3A_247, %parallel_loop3A_242 : vector<16xi1>, vector<16xf32>
      %parallel_loop3A_249 = arith.cmpf oge, %parallel_loop3A_243, %get3A_9 : vector<16xf32>
      %parallel_loop3A_250 = arith.constant 1.000000e+00 : f32
      %parallel_loop3A_251 = vector.broadcast %parallel_loop3A_250 : f32 to vector<16xf32>
      %parallel_loop3A_252 = arith.subf %parallel_loop3A_243, %parallel_loop3A_251 : vector<16xf32>
      %parallel_loop3A_253 = arith.select %parallel_loop3A_249, %parallel_loop3A_252, %parallel_loop3A_243 : vector<16xi1>, vector<16xf32>
      %parallel_loop3A_254 = arith.fptosi %parallel_loop3A_248 : vector<16xf32> to vector<16xi32>
      %parallel_loop3A_255 = arith.fptosi %parallel_loop3A_253 : vector<16xf32> to vector<16xi32>
      %parallel_loop3A_256 = tpu.vector_load_idx %arg6[%parallel_loop3A_254, %parallel_loop3A_255] : memref<100x100xf32, #tpu.memory_space<vmem>>[vector<16xi32>, vector<16xi32>], vector<16xf32>,
      %parallel_loop3A_257 = arith.constant 128 : i32
      %parallel_loop3A_258 = arith.muli %parallel_loop3A_14, %parallel_loop3A_257 : i32
      %parallel_loop3A_259 = arith.constant 112 : i32
      %parallel_loop3A_260 = arith.addi %parallel_loop3A_258, %parallel_loop3A_259 : i32
      %parallel_loop3A_261 = arith.index_cast %parallel_loop3A_260 : i32 to index
      %parallel_loop3A_262 = tpu.vector_load %arg8[%parallel_loop3A_261] {strides = array<i32>} : memref<32768xf32, #tpu.memory_space<vmem>>, vector<16xf32>,
      tpu.vector_store %arg8[%parallel_loop3A_261], %parallel_loop3A_256 {strides = array<i32>} : memref<32768xf32, #tpu.memory_space<vmem>>, vector<16xf32>,
    } {sc.loop_unroll_factor = 4 : i64, sc.parallel_access}
    %mul3A_12 = arith.constant 32768 : i32
    %mul3A_13 = arith.muli %add3A, %mul3A_12 : i32
    "tpu.region"() ({
      %run_scoped3A = tpu.sem_alloc : memref<!tpu.dma_semaphore, #tpu.memory_space<semaphore_mem>>
      %dma_start3A = tpu.memref_slice %arg5[%mul3A_13] : memref<1048576xf32, #tpu.memory_space<hbm>> -> memref<32768xf32, #tpu.memory_space<hbm>>
      %dma_start3A_14 = tpu.memref_slice %arg5[%mul3A_13] : memref<1048576xf32, #tpu.memory_space<hbm>> -> memref<32768xf32, #tpu.memory_space<hbm>>
      tpu.enqueue_dma source(%arg8 : memref<32768xf32, #tpu.memory_space<vmem>>) target(%dma_start3A_14 : memref<32768xf32, #tpu.memory_space<hbm>>) target_semaphore(%run_scoped3A : memref<!tpu.dma_semaphore, #tpu.memory_space<semaphore_mem>>)
      %dma_wait3A = tpu.memref_slice %arg5[%mul3A_13] : memref<1048576xf32, #tpu.memory_space<hbm>> -> memref<32768xf32, #tpu.memory_space<hbm>>
      %dma_wait3A_15 = tpu.memref_slice %arg5[%mul3A_13] : memref<1048576xf32, #tpu.memory_space<hbm>> -> memref<32768xf32, #tpu.memory_space<hbm>>
      tpu.wait_dma2 semaphore(%run_scoped3A : memref<!tpu.dma_semaphore, #tpu.memory_space<semaphore_mem>>) src(%arg8 : memref<32768xf32, #tpu.memory_space<vmem>>) dst(%dma_wait3A_15 : memref<32768xf32, #tpu.memory_space<hbm>>)
      tpu.yield
    }) : () -> ()
    return
  }
}

module attributes {stable_mosaic.version = 14 : i64} {
  func.func @_table_body(%arg0: memref<100x100xf32, #tpu.memory_space<vmem>>, %arg1: memref<100x100xf32, #tpu.memory_space<vmem>>) attributes {dimension_semantics = [], scalar_prefetch = 0 : i64, scratch_operands = 0 : i64, tpu.core_type = #tpu.core_type<tc>} {
    %get3A = arith.constant 0 : index
    %get3A_0 = arith.constant 0 : index
    %get3A_1 = vector.load %arg0[%get3A, %get3A_0] : memref<100x100xf32, #tpu.memory_space<vmem>>, vector<100x100xf32>
    %add3A = arith.constant 1.000000e+00 : f32
    %add3A_2 = vector.broadcast %add3A : f32 to vector<100x100xf32>
    %add3A_3 = arith.addf %get3A_1, %add3A_2 : vector<100x100xf32>
    %rsqrt3A = math.rsqrt %add3A_3 : vector<100x100xf32>
    %mul3A = arith.constant 1.000000e-01 : f32
    %mul3A_4 = vector.broadcast %mul3A : f32 to vector<100x100xf32>
    %mul3A_5 = arith.mulf %mul3A_4, %rsqrt3A : vector<100x100xf32>
    %swap3A = arith.constant 0 : index
    %swap3A_6 = arith.constant 0 : index
    %swap3A_7 = vector.load %arg1[%swap3A, %swap3A_6] : memref<100x100xf32, #tpu.memory_space<vmem>>, vector<100x100xf32>
    tpu.vector_store %arg1[%swap3A, %swap3A_6], %mul3A_5 {strides = array<i32>} : memref<100x100xf32, #tpu.memory_space<vmem>>, vector<100x100xf32>,
    return
  }
}

</mosaic_0001>

<sc_bundles>
// kernel: kernel.4.cloned.1.call-start
scs
__scs_entry_jumppad:
0x0: {  	(pc) =	sbr.rel $0x88, $3  }
0x1: {  	(tag) =	ssettag $0x0;
	lr =	simm.s32 $0x1  }
0x2: {  	[smem:$0x3F9D] =	sst lr;
	_ =	strace $0xD0000000  }
0x3: {  	_ = 	snop  }
0x4: {  	_ = 	snop  }
0x5: {  	_ = 	snop  }
0x6: {  	_ = 	snop  }
0x7: {  	_ = 	snop  }
__scs_overlays_trampoline_lowered:
0x8: {  	[smem:$0x3FAC] =	sst s0  }
0x9: {  	[smem:$0x3FAD] =	sst s1  }
0xa: {  	[smem:$0x3FAE] =	sst s2  }
0xb: {  	[smem:$0x3FAF] =	sst s3  }
0xc: {  	[smem:$0x3FB0] =	sst s4  }
0xd: {  	[smem:$0x3FB1] =	sst s5  }
0xe: {  	[smem:$0x3FB2] =	sst s6  }
0xf: {  	[smem:$0x3FB3] =	sst s7  }
0x10: {  	[smem:$0x3FB4] =	sst s8  }
0x11: {  	[smem:$0x3FB5] =	sst s9;
	s0 =	simm.s32 @!p0 $0x0  }
0x12: {  	s1 =	sld [smem:$0x3F9B];
	s0 =	simm.s32 @p0 $0x1  }
0x13: {  	[smem:$0x3FB6] =	sst s0;
	s0 =	simm.s32 @!p1 $0x0  }
0x14: {  	s2 =	sld [smem:$0x3F9A];
	s0 =	simm.s32 @p1 $0x1  }
0x15: {  	[smem:$0x3FB7] =	sst s0;
	s0 =	simm.s32 @!p2 $0x0  }
0x16: {  	s3 =	sld [smem:$0x3FDB];
	s0 =	simm.s32 @p2 $0x1  }
0x17: {  	s4 =	simm.s32 $0x1BF5;
	[smem:$0x3FB9] =	sst s0  }
0x18: {  	s0 =	sld [smem:$0x3F9C];
	_ =	swait.ge [sflag:s4], $0x0  }
0x19: {  	s7 =	sld [smem:$0x3F9D]  }
0x1a: {  	s8 =	sadd.s32 $0xFFFFE003, lr  }
0x1b: {  	s9 =	sadd.s32 $0xFFFFFEF7, lr;
	s5 =	simm.s32 $0xFFFFFFFF;
	p2 =	slt.u32 s8, $0xFFFFF086  }
0x1c: {  	p1 =	slt.u32 s9, $0xF7A;
	s5 =	simm.s32 @!p2 $0x0  }
0x1d: {  	s5 =	simm.s32 @p1 $0x1;
	p0 =	seq.s32 s7, s2  }
0x1e: {  	s7 =	smul.u32 @!p0 $0xF7A, s2;
	p2 =	seq.s32 @!p0 s5, $0x0  }
0x1f: {  	s9 =	smul.u32 $0xF7A, s1;
	s8 =	simm.s32 @!p0 $0x1BF5;
	p2 =	por !p2, p0  }
0x20: {  	[sflag:s8] =	ssyncset.s32 @!p0 $0xFFFFF086;
	s6 =	sadd.s32 @!p0 s3, s7;
	s7 =	simm.s32 @!p0 $0x108  }
0x21: {  	s3 =	sadd.s32 s3, s9;
	s6 =	sadd.s32 @!p0 $0x88, s6;
	s7 =	simm.s32 @p2 $0x1082  }
0x22: {  	[simem:s7], [sflag:s8] =	dma.local @!p0 [hbm:s6], $0xF7A  }
0x23: {  	s9 =	sor.u32 $0xD0000000, s2;
	s6 =	simm.s32 $0x108;
	_ =	swait.ge @!p0 [sflag:s8], $0x0  }
0x24: {  	s3 =	sadd.s32 $0x88, s3;
	s6 =	simm.s32 @!p1 $0x1082;
	[sflag:s4] =	ssyncset.s32 $0xFFFFF086  }
0x25: {  	[simem:s6], [sflag:s4] =	dma.local [hbm:s3], $0xF7A  }
0x26: {  	[smem:$0x3F9D] =	sst s1;
	(tag) =	ssettag s2;
	_ =	strace s9  }
0x27: {  	s1 =	sld [smem:$0x3FAD]  }
0x28: {  	s2 =	sld [smem:$0x3FAE]  }
0x29: {  	s4 =	sld [smem:$0x3FB0]  }
0x2a: {  	p0 =	seq.s32 s5, $0x0;
	s5 =	sld [smem:$0x3FB1]  }
0x2b: {  	s6 =	sld [smem:$0x3FB2]  }
0x2c: {  	s7 =	sld [smem:$0x3FB3]  }
0x2d: {  	s3 =	simm.s32 $0x108;
	s8 =	sld [smem:$0x3FB4]  }
0x2e: {  	s3 =	simm.s32 @!p0 $0x1082;
	s9 =	sld [smem:$0x3FB5]  }
0x2f: {  	lr =	sadd.s32 s0, s3;
	s0 =	sld [smem:$0x3FAC]  }
0x30: {  	s3 =	sld [smem:$0x3FAF]  }
0x31: {  	[smem:$0x3FB8] =	sst s10  }
0x32: {  	s10 =	sld [smem:$0x3FB6];
	_ =	sdelay $0x3  }
0x33: {  	p0 =	seq.s32 s10, $0x1;
	s10 =	sld [smem:$0x3FB8];
	_ =	sdelay $0x3  }
0x34: {  	[smem:$0x3FB8] =	sst s10  }
0x35: {  	s10 =	sld [smem:$0x3FB7];
	_ =	sdelay $0x3  }
0x36: {  	p1 =	seq.s32 s10, $0x1;
	s10 =	sld [smem:$0x3FB8];
	_ =	sdelay $0x3  }
0x37: {  	[smem:$0x3FB8] =	sst s10  }
0x38: {  	s10 =	sld [smem:$0x3FB9]  }
0x39: {  	_ = 	snop;
	(pc) =	sbr.ind lr, $3  }
0x3a: {  	_ = 	snop  }
0x3b: {  	_ = 	snop  }
0x3c: {  	p2 =	seq.s32 s10, $0x1;
	s10 =	sld [smem:$0x3FB8]  }
0x3d: {  	_ =	shalt  }
0x3e: {  	_ =	shalt  }
0x3f: {  	_ =	shalt  }
0x40: {  	_ =	shalt  }
0x41: {  	_ =	shalt  }
0x42: {  	_ =	shalt  }
0x43: {  	_ =	shalt  }
0x44: {  	_ =	shalt  }
0x45: {  	_ =	shalt  }
0x46: {  	_ =	shalt  }
0x47: {  	_ =	shalt  }
0x48: {  	_ =	shalt  }
0x49: {  	_ =	shalt  }
0x4a: {  	_ =	shalt  }
0x4b: {  	_ =	shalt  }
0x4c: {  	_ =	shalt  }
0x4d: {  	_ =	shalt  }
0x4e: {  	_ =	shalt  }
0x4f: {  	_ =	shalt  }
0x50: {  	_ =	shalt  }
0x51: {  	_ =	shalt  }
0x52: {  	_ =	shalt  }
0x53: {  	_ =	shalt  }
0x54: {  	_ =	shalt  }
0x55: {  	_ =	shalt  }
0x56: {  	_ =	shalt  }
0x57: {  	_ =	shalt  }
0x58: {  	_ =	shalt  }
0x59: {  	_ =	shalt  }
0x5a: {  	_ =	shalt  }
0x5b: {  	_ =	shalt  }
0x5c: {  	_ =	shalt  }
0x5d: {  	_ =	shalt  }
0x5e: {  	_ =	shalt  }
0x5f: {  	_ =	shalt  }
0x60: {  	_ =	shalt  }
0x61: {  	_ =	shalt  }
0x62: {  	_ =	shalt  }
0x63: {  	_ =	shalt  }
0x64: {  	_ =	shalt  }
0x65: {  	_ =	shalt  }
0x66: {  	_ =	shalt  }
0x67: {  	_ =	shalt  }
0x68: {  	_ =	shalt  }
0x69: {  	_ =	shalt  }
0x6a: {  	_ =	shalt  }
0x6b: {  	_ =	shalt  }
0x6c: {  	_ =	shalt  }
0x6d: {  	_ =	shalt  }
0x6e: {  	_ =	shalt  }
0x6f: {  	_ =	shalt  }
0x70: {  	_ =	shalt  }
0x71: {  	_ =	shalt  }
0x72: {  	_ =	shalt  }
0x73: {  	_ =	shalt  }
0x74: {  	_ =	shalt  }
0x75: {  	_ =	shalt  }
0x76: {  	_ =	shalt  }
0x77: {  	_ =	shalt  }
0x78: {  	_ =	shalt  }
0x79: {  	_ =	shalt  }
0x7a: {  	_ =	shalt  }
0x7b: {  	_ =	shalt  }
0x7c: {  	_ =	shalt  }
0x7d: {  	_ =	shalt  }
0x7e: {  	_ =	shalt  }
0x7f: {  	_ =	shalt  }
0x80: {  	_ =	shalt  }
0x81: {  	_ =	shalt  }
0x82: {  	_ =	shalt  }
0x83: {  	_ =	shalt  }
0x84: {  	_ =	shalt  }
0x85: {  	_ =	shalt  }
0x86: {  	_ =	shalt  }
0x87: {  	_ =	shalt  }
.Lfunc_end0:
.L_simem_size_0:
called_computation_lowered:
.L_overlay_start_0:
0x88: {  	s2 =	sld [smem:$0x3FD9]  }
0x89: {  	s3 =	sld [smem:$0x3FFE];
	_ =	sdelay $0x1  }
0x8a: {  	s1 =	srdreg.scid  }
0x8b: {  	s0 =	sand.u32 $0x1, s1  }
0x8c: {  	s17 =	sshll.u32 s0, $0xA;
	s2 =	sadd.s32 s3, s2  }
0x8d: {  	s2 =	sadd.s32 s2, s17  }
0x8e: {  	[smem:$0x3FC4] =	sst s2  }
0x8f: {  	_ = 	snop  }
0x90: {  	s2 =	sld [smem:$0x3FC9]  }
0x91: {  	s18 =	sld [smem:$0x3FD0];
	(tm) =	ssettm $0x1  }
0x92: {  	s4 =	sld [smem:$0x3FFB];
	_ =	sdelay $0x3  }
0x93: {  	_ =	strace s4  }
0x94: {  	s4 =	sld [smem:$0x3FFC];
	_ =	sdelay $0x3  }
0x95: {  	_ =	strace s4  }
0x96: {  	s4 =	sld [smem:$0x3FFD];
	_ =	sdelay $0x3  }
0x97: {  	_ =	strace s4  }
0x98: {  	_ =	strace $0x8FFFFFFF  }
0x99: {  	s19 =	sld [smem:$0x3FDB];
	_ =	sdelay $0x1  }
0x9a: {  	s5 =	simm.s32 $_scs_section_size  }
0x9b: {  	s6 =	simm.s32 $_size__tile_overlayer_lowered;
	s7 =	simm.s32 $_tile_overlayer_lowered  }
0x9c: {  	s22 =	simm.s32 $0x1BFF;
	s21 =	sshll.u32 s7, $0x1;
	s4 =	sadd.s32 s5, s19  }
0x9d: {  	s8 =	simm.s32 $0x0;
	s20 =	sshll.u32 s6, $0x1;
	s6 =	sadd.s32 s21, s4  }
0x9e: {  	[timem:s8], [sflag:s22] =	dma.local [hbm:s6], s20  }
0x9f: {  	_ =	swait.ge [sflag:s22], s20  }
0xa0: {  	s5 =	ssub.s32 $0x0, s20;
	[sflag:s22] =	ssyncset.done $0x0  }
0xa1: {  	[sflag:s22] =	ssyncadd.s32 s5;
	_ =	sdelay $0x1  }
0xa2: {  	s23 =	simm.s32 $0x1B8B  }
0xa3: {  	_ =	swait.ge [sflag:s23], $0x1  }
0xa4: {  	[sflag:s23] =	ssyncset.done $0x0  }
0xa5: {  	s25 =	simm.s32 $0x1B8E;
	s24 =	sld [smem:$0x3FFE];
	[sflag:s23] =	ssyncadd.s32 $0xFFFFFFFF  }
0xa6: {  	s26 =	simm.s32 $execute0_lowered;
	[smem:$0x3FD2] =	sst s25  }
0xa7: {  	s6 =	sshll.u32 s26, $0x1;
	_ =	strace $0x80000046;
	[dreg:$0x1] =	wrdreg $0xFFFFFFFF  }
0xa8: {  	s28 =	simm.s32 $_size_execute0_lowered;
	s4 =	sadd.s32 s4, s6;
	[dreg:$0x0] =	wrdreg $0x0  }
0xa9: {  	s6 =	sshll.u32 s28, $0x1;
	[dreg:$0x2] =	wrdreg s4  }
0xaa: {  	[dreg:$0x3] =	wrdreg s6  }
0xab: {  	[dreg:$0x4] =	wrdreg $0xC0  }
0xac: {  	_ =	task [dreg:s8], $0x5FFFF  }
0xad: {  	[dreg:$0x1] =	wrdreg $0xFFFFFFFF  }
0xae: {  	[dreg:$0x0] =	wrdreg $0x60  }
0xaf: {  	[dreg:$0x2] =	wrdreg s24  }
0xb0: {  	[dreg:$0x3] =	wrdreg s2  }
0xb1: {  	[dreg:$0x4] =	wrdreg s18  }
0xb2: {  	[dreg:$0x5] =	wrdreg $0x9  }
0xb3: {  	_ =	task.clear_ibuf [dreg:s8], $0x6FFFF;
	_ =	strace $0x90000046  }
0xb4: {  	s29 =	simm.s32 $0x9;
	_ =	strace $0x80000048  }
0xb5: {  	_ =	swait.ge [sflag:s29], $0x1  }
0xb6: {  	[sflag:s29] =	ssyncadd.s32 $0xFFFFFFFF  }
0xb7: {  	_ =	strace $0x90000048  }
0xb8: {  	_ =	sfence  }
0xb9: {  	s30 =	sld [smem:$0x0];
	_ =	sdelay $0x2  }
0xba: {  	s31 =	sshll.u32 s1, $0xD;
	s1 =	sshrl.u32 s1, $0x2  }
0xbb: {  	s3 =	sand.u32 $0x4000, s31;
	s1 =	sadd.s32 s1, s30  }
0xbc: {  	s0 =	sor.u32 s3, s0;
	s1 =	sshll.u32 s1, $0x11  }
0xbd: {  	s0 =	sor.u32 s1, s0  }
0xbe: {  	s0 =	sadd.s32 $0x8F2B, s0  }
0xbf: {  	[sflag:s0] =	ssyncadd.remote.s32 $0x1  }
0xc0: {  	_ =	sfence.sel $0xFFFF  }
0xc1: {  	[dreg:$0x0] =	wrdreg $0xFFFFFFFF;
	(pc) =	sbr.abs _section_cstart, $3  }
0xc2: {  	[dreg:$0x1] =	wrdreg $0xFFFFFFFF  }
0xc3: {  	_ =	task.clear_ibuf [dreg:s8], $0x2FFFF;
	_ =	strace $0x9FFFFFFF  }
0xc4: {  	(tm) =	ssettm $0x7FFFFFFF  }
0xc5: {  	_ =	shalt  }
tec
execute0_lowered:
.L_overlay_start_1:
0x0: {  	(tag) =	ssettag $0x1  }
0x1: {  	s4 =	rddreg [dreg:$0x0]  }
0x2: {  	s5 =	rddreg [dreg:$0x1]  }
0x3: {  	s6 =	rddreg [dreg:$0x2]  }
0x4: {  	s0 =	rddreg [dreg:$0x3];
	s2 =	simm.s32 $0x0;
	s7 =	srdreg.scid  }
0x5: {  	s1 =	stileid.u32;
	s11 =	simm.s32 $0x128A0;
	s12 =	simm.s32 $0x0  }
0x6: {  	[smem:$0x7FF] =	sst s2;
	s3 =	sadd.s32 $0x1000, s4;
	s7 =	sand.u32 $0x1, s7  }
0x7: {  	s8 =	sshll.u32 s1, $0x1;
	s4 =	sadd.s32 $0xA00, s4;
	s9 =	ssub.s32 $0x2, s7  }
0x8: {  	_ =	strace $0x80000047;
	s7 =	sor.u32 s7, s8;
	s31 =	sshrl.u32 s9, $0x1  }
0x9: {  	s10 =	sshll.u32 s7, $0xD;
	s7 =	sshll.u32 s7, $0xC;
	s8 =	ssub.s32 s9, s31  }
0xa: {  	s5 =	sadd.s32 s5, s10;
	s6 =	sadd.s32 s6, s7;
	s9 =	simm.s32 $0x1A8A0  }
0xb: {  	s10 =	simm.s32 $0x28A0;
	s7 =	smax.u32 s8, $0x1;
	s8 =	simm.s32 $0x1  }
.LBB2_1:
0xc: {  	[tilespmem:s2], [sflag:$0x1] =	stream.linear.gather [hbm4b:s3+s2], $0x28A0, $0x38;
	[tilespmem:$0x1A8E0] =	vst v63  }
0xd: {  	_ =	swait.ge [sflag:s8], $0x28A0  }
0xe: {  	[sflag:s8] =	ssyncset.done $0x0  }
0xf: {  	[sflag:s8] =	ssyncadd.s32 $0xFFFFD760  }
0x10: {  	[tilespmem:s9], [sflag:$0x1] =	stream.linear.gather [hbm4b:s4+s2], $0x40, $0x38;
	[tilespmem:$0x1A8E0] =	vst v63  }
0x11: {  	_ =	swait.ge [sflag:s8], $0x40  }
0x12: {  	[sflag:s8] =	ssyncset.done $0x0  }
0x13: {  	[sflag:s8] =	ssyncadd.s32 $0xFFFFFFC0  }
0x14: {  	[tilespmem:s10], [sflag:$0x1] =	stream.linear.gather [hbm4b:s5+s2], $0x10000, $0x38;
	[tilespmem:$0x1A8E0] =	vst v63  }
0x15: {  	_ =	swait.ge [sflag:s8], $0x10000  }
0x16: {  	[sflag:s8] =	ssyncset.done $0x0  }
0x17: {  	[sflag:s8] =	ssyncadd.s32 $0xFFFF0000  }
0x18: {  	v3 =	vld [tilespmem:$0x1A8A0]  }
0x19: {  	s18 =	simm.s32 $0x2AA0;
	v2 =	vld [tilespmem:$0x1A8B0]  }
0x1a: {  	v4 =	vld [tilespmem:s18+$0x100]  }
0x1b: {  	v5 =	vld [tilespmem:s18+$0x180];
	_ =	sdelay $0x1  }
0x1c: {  	v1 =	vld [tilespmem:$0x1A8C0]  }
0x1d: {  	v0 =	vld [tilespmem:$0x1A8D0]  }
0x1e: {  	v4 =	vmul.f32 v4, v3  }
0x1f: {  	v5 =	vmul.f32 v5, v2  }
0x20: {  	v6 =	vadd.f32 $-1.000000000e+00, v4  }
0x21: {  	vm0 =	vge.f32 v4, v1;
	v7 =	vadd.f32 $-1.000000000e+00, v5  }
0x22: {  	v8 =	vld [tilespmem:s18+$0xFFFFFE00];
	v4 =	vsel vm0, v6, v4;
	vm0 =	vge.f32 v5, v0  }
0x23: {  	v10 =	vld [tilespmem:s18+$0xFFFFFF80];
	v5 =	vsel vm0, v7, v5;
	v4 =	vtrunc.f32 v4  }
0x24: {  	v12 =	vld [tilespmem:s18+$0x80];
	v4 =	vcvt.f32.s32 v4;
	v5 =	vtrunc.f32 v5  }
0x25: {  	v7 =	vld [tilespmem:s18+$0x0];
	v5 =	vcvt.f32.s32 v5  }
0x26: {  	v6 =	vld [tilespmem:s18+$0xFFFFFF00];
	v4 =	vmul.u32 $0x68, v4  }
0x27: {  	v9 =	vld [tilespmem:s18+$0xFFFFFE80];
	v11 =	vand.u32 $0xFFFFFFF8, v5  }
0x28: {  	v5 =	vand.u32 $0x7, v5;
	v4 =	vadd.s32 v4, v11  }
0x29: {  	v10 =	vmul.f32 v10, v2;
	v4 =	vor.u32 v5, v4  }
0x2a: {  	v12 =	vmul.f32 v12, v2;
	v7 =	vmul.f32 v7, v3  }
0x2b: {  	v5 =	vmul.f32 v6, v3;
	v6 =	vmul.f32 v8, v3  }
0x2c: {  	v15 =	vadd.f32 $-1.000000000e+00, v10;
	v8 =	vmul.f32 v9, v2;
	v13 =	vadd.f32 $-1.000000000e+00, v7  }
0x2d: {  	vm2 =	vge.f32 v7, v1;
	v9 =	vadd.f32 $-1.000000000e+00, v6;
	v11 =	vadd.f32 $-1.000000000e+00, v5  }
0x2e: {  	vm0 =	vge.f32 v6, v1;
	v14 =	vadd.f32 $-1.000000000e+00, v8;
	vm1 =	vge.f32 v5, v1;
	v4 =	vld.idx.msk [tilespmem:v4+s2+$0x0], $0xffff  }
0x2f: {  	v7 =	vsel vm2, v13, v7;
	vm2 =	vge.f32 v12, v0;
	v6 =	vsel vm0, v9, v6  }
0x30: {  	v5 =	vsel vm1, v11, v5;
	v9 =	vadd.f32 $-1.000000000e+00, v12;
	vm0 =	vge.f32 v8, v0  }
0x31: {  	vm1 =	vge.f32 v10, v0;
	v7 =	vtrunc.f32 v7;
	v6 =	vtrunc.f32 v6  }
0x32: {  	s13 =	simm.s32 $0x129A0;
	v8 =	vsel vm0, v14, v8;
	v5 =	vtrunc.f32 v5;
	v7 =	vcvt.f32.s32 v7  }
0x33: {  	v10 =	vsel vm1, v15, v10;
	v6 =	vcvt.f32.s32 v6;
	v5 =	vcvt.f32.s32 v5;
	[tilespmem:s13+$0x80] =	vst v4  }
0x34: {  	v8 =	vtrunc.f32 v8;
	v10 =	vtrunc.f32 v10;
	v4 =	vsel vm2, v9, v12;
	v9 =	vld [tilespmem:s18+$0x110]  }
0x35: {  	v8 =	vcvt.f32.s32 v8;
	v10 =	vcvt.f32.s32 v10;
	v11 =	vld [tilespmem:s18+$0x190]  }
0x36: {  	v7 =	vmul.u32 $0x68, v7;
	v6 =	vmul.u32 $0x68, v6;
	v5 =	vmul.u32 $0x68, v5  }
0x37: {  	v13 =	vand.u32 $0xFFFFFFF8, v10;
	v10 =	vand.u32 $0x7, v10;
	v12 =	vand.u32 $0xFFFFFFF8, v8  }
0x38: {  	v8 =	vand.u32 $0x7, v8;
	v5 =	vadd.s32 v5, v13;
	v4 =	vtrunc.f32 v4  }
0x39: {  	v6 =	vadd.s32 v6, v12;
	v4 =	vcvt.f32.s32 v4;
	v9 =	vmul.f32 v9, v3  }
0x3a: {  	v5 =	vor.u32 v10, v5;
	v6 =	vor.u32 v8, v6;
	v11 =	vmul.f32 v11, v2  }
0x3b: {  	v12 =	vand.u32 $0xFFFFFFF8, v4;
	v4 =	vand.u32 $0x7, v4;
	v8 =	vadd.f32 $-1.000000000e+00, v9  }
0x3c: {  	v7 =	vadd.s32 v7, v12;
	vm0 =	vge.f32 v9, v1;
	v10 =	vadd.f32 $-1.000000000e+00, v11  }
0x3d: {  	v4 =	vor.u32 v4, v7;
	v7 =	vsel vm0, v8, v9;
	vm0 =	vge.f32 v11, v0  }
0x3e: {  	v8 =	vsel vm0, v10, v11;
	v7 =	vtrunc.f32 v7  }
0x3f: {  	v7 =	vcvt.f32.s32 v7;
	v8 =	vtrunc.f32 v8  }
0x40: {  	v5 =	vld.idx.msk [tilespmem:v5+s2+$0x0], $0xffff;
	v8 =	vcvt.f32.s32 v8  }
0x41: {  	v6 =	vld.idx.msk [tilespmem:v6+s2+$0x0], $0xffff;
	v7 =	vmul.u32 $0x68, v7  }
0x42: {  	v4 =	vld.idx.msk [tilespmem:v4+s2+$0x0], $0xffff;
	v9 =	vand.u32 $0xFFFFFFF8, v8  }
0x43: {  	v8 =	vand.u32 $0x7, v8;
	v7 =	vadd.s32 v7, v9  }
0x44: {  	v7 =	vor.u32 v8, v7  }
0x45: {  	[tilespmem:s13+$0xFFFFFF80] =	vst v5  }
0x46: {  	[tilespmem:s13+$0xFFFFFF00] =	vst v6;
	v5 =	vld [tilespmem:s18+$0xFFFFFF10]  }
0x47: {  	v6 =	vld [tilespmem:s18+$0xFFFFFE10];
	[tilespmem:s13+$0x0] =	vst v4  }
0x48: {  	v4 =	vld [tilespmem:s18+$0x10]  }
0x49: {  	v7 =	vld.idx.msk [tilespmem:v7+s2+$0x0], $0xffff  }
0x4a: {  	v8 =	vld [tilespmem:s18+$0xFFFFFE90]  }
0x4b: {  	v5 =	vmul.f32 v5, v3;
	v10 =	vld [tilespmem:s18+$0x90];
	_ =	sdelay $0x1  }
0x4c: {  	v6 =	vmul.f32 v6, v3;
	v11 =	vadd.f32 $-1.000000000e+00, v5  }
0x4d: {  	v9 =	vld [tilespmem:s18+$0xFFFFFF90];
	vm1 =	vge.f32 v5, v1;
	v4 =	vmul.f32 v4, v3;
	[tilespmem:s13+$0x90] =	vst v7  }
0x4e: {  	vm0 =	vge.f32 v6, v1;
	v5 =	vsel vm1, v11, v5;
	v12 =	vld [tilespmem:s18+$0x120]  }
0x4f: {  	v8 =	vmul.f32 v8, v2;
	v10 =	vmul.f32 v10, v2;
	v13 =	vadd.f32 $-1.000000000e+00, v4;
	v14 =	vld [tilespmem:s18+$0x1A0]  }
0x50: {  	v5 =	vtrunc.f32 v5;
	vm2 =	vge.f32 v4, v1;
	v7 =	vadd.f32 $-1.000000000e+00, v6  }
0x51: {  	v5 =	vcvt.f32.s32 v5;
	v4 =	vsel vm2, v13, v4;
	vm2 =	vge.f32 v10, v0  }
0x52: {  	v6 =	vsel vm0, v7, v6;
	v7 =	vmul.f32 v9, v2;
	v9 =	vadd.f32 $-1.000000000e+00, v8  }
0x53: {  	v13 =	vadd.f32 $-1.000000000e+00, v10;
	vm0 =	vge.f32 v8, v0;
	v12 =	vmul.f32 v12, v3  }
0x54: {  	v4 =	vtrunc.f32 v4;
	v8 =	vsel vm0, v9, v8;
	v9 =	vmul.f32 v14, v2  }
0x55: {  	v4 =	vcvt.f32.s32 v4;
	v10 =	vsel vm2, v13, v10;
	v14 =	vadd.f32 $-1.000000000e+00, v12  }
0x56: {  	v10 =	vtrunc.f32 v10;
	vm0 =	vge.f32 v12, v1;
	v15 =	vadd.f32 $-1.000000000e+00, v9  }
0x57: {  	v11 =	vadd.f32 $-1.000000000e+00, v7;
	v12 =	vsel vm0, v14, v12;
	vm0 =	vge.f32 v9, v0  }
0x58: {  	vm1 =	vge.f32 v7, v0;
	v9 =	vsel vm0, v15, v9;
	v12 =	vtrunc.f32 v12  }
0x59: {  	v7 =	vsel vm1, v11, v7;
	v11 =	vcvt.f32.s32 v12;
	v9 =	vtrunc.f32 v9  }
0x5a: {  	v5 =	vmul.u32 $0x68, v5;
	v6 =	vtrunc.f32 v6;
	v9 =	vcvt.f32.s32 v9  }
0x5b: {  	v10 =	vcvt.f32.s32 v10;
	v7 =	vtrunc.f32 v7;
	v11 =	vmul.u32 $0x68, v11  }
0x5c: {  	v6 =	vcvt.f32.s32 v6;
	v7 =	vcvt.f32.s32 v7;
	v12 =	vand.u32 $0xFFFFFFF8, v9  }
0x5d: {  	v8 =	vtrunc.f32 v8;
	v9 =	vand.u32 $0x7, v9;
	v11 =	vadd.s32 v11, v12  }
0x5e: {  	v8 =	vcvt.f32.s32 v8;
	v12 =	vand.u32 $0xFFFFFFF8, v7;
	v9 =	vor.u32 v9, v11  }
0x5f: {  	v6 =	vmul.u32 $0x68, v6;
	v7 =	vand.u32 $0x7, v7;
	v5 =	vadd.s32 v5, v12  }
0x60: {  	v4 =	vmul.u32 $0x68, v4;
	v11 =	vand.u32 $0xFFFFFFF8, v8;
	v5 =	vor.u32 v7, v5  }
0x61: {  	v8 =	vand.u32 $0x7, v8;
	v6 =	vadd.s32 v6, v11;
	v11 =	vand.u32 $0xFFFFFFF8, v10  }
0x62: {  	v6 =	vor.u32 v8, v6;
	v4 =	vadd.s32 v4, v11;
	v8 =	vand.u32 $0x7, v10  }
0x63: {  	v4 =	vor.u32 v8, v4;
	v7 =	vld.idx.msk [tilespmem:v9+s2+$0x0], $0xffff;
	_ =	sdelay $0x1  }
0x64: {  	v5 =	vld.idx.msk [tilespmem:v5+s2+$0x0], $0xffff;
	_ =	sdelay $0x1  }
0x65: {  	v6 =	vld.idx.msk [tilespmem:v6+s2+$0x0], $0xffff  }
0x66: {  	v4 =	vld.idx.msk [tilespmem:v4+s2+$0x0], $0xffff;
	[tilespmem:s13+$0xA0] =	vst v7  }
0x67: {  	v7 =	vld [tilespmem:s18+$0x130]  }
0x68: {  	v8 =	vld [tilespmem:s18+$0x1B0];
	[tilespmem:s13+$0xFFFFFF90] =	vst v5  }
0x69: {  	v5 =	vld [tilespmem:s18+$0xFFFFFF20]  }
0x6a: {  	[tilespmem:s13+$0xFFFFFF10] =	vst v6;
	v12 =	vld [tilespmem:s18+$0xFFFFFFA0]  }
0x6b: {  	v6 =	vld [tilespmem:s18+$0xFFFFFE20]  }
0x6c: {  	v10 =	vld [tilespmem:s18+$0xFFFFFEA0];
	v7 =	vmul.f32 v7, v3  }
0x6d: {  	[tilespmem:s13+$0x10] =	vst v4;
	v4 =	vmul.f32 v8, v2  }
0x6e: {  	v5 =	vmul.f32 v5, v3;
	v9 =	vadd.f32 $-1.000000000e+00, v7  }
0x6f: {  	v8 =	vld [tilespmem:s18+$0x20];
	v12 =	vmul.f32 v12, v2;
	vm0 =	vge.f32 v7, v1;
	v11 =	vadd.f32 $-1.000000000e+00, v4  }
0x70: {  	v6 =	vmul.f32 v6, v3;
	v7 =	vsel vm0, v9, v7;
	vm0 =	vge.f32 v4, v0  }
0x71: {  	v10 =	vmul.f32 v10, v2;
	v4 =	vsel vm0, v11, v4;
	v7 =	vtrunc.f32 v7  }
0x72: {  	v7 =	vcvt.f32.s32 v7;
	v4 =	vtrunc.f32 v4  }
0x73: {  	v13 =	vadd.f32 $-1.000000000e+00, v5;
	vm1 =	vge.f32 v5, v1;
	v4 =	vcvt.f32.s32 v4  }
0x74: {  	v15 =	vadd.f32 $-1.000000000e+00, v12;
	v9 =	vld [tilespmem:s18+$0xA0];
	v8 =	vmul.f32 v8, v3;
	v7 =	vmul.u32 $0x68, v7  }
0x75: {  	v11 =	vadd.f32 $-1.000000000e+00, v6;
	vm0 =	vge.f32 v6, v1;
	v14 =	vand.u32 $0xFFFFFFF8, v4  }
0x76: {  	v5 =	vsel vm1, v13, v5;
	v4 =	vand.u32 $0x7, v4;
	v7 =	vadd.s32 v7, v14  }
0x77: {  	vm1 =	vge.f32 v12, v0;
	v5 =	vtrunc.f32 v5;
	v4 =	vor.u32 v4, v7  }
0x78: {  	vm2 =	vge.f32 v8, v1;
	v6 =	vsel vm0, v11, v6;
	vm0 =	vge.f32 v10, v0  }
0x79: {  	v6 =	vtrunc.f32 v6;
	v9 =	vmul.f32 v9, v2;
	v14 =	vadd.f32 $-1.000000000e+00, v8  }
0x7a: {  	v5 =	vcvt.f32.s32 v5;
	v6 =	vcvt.f32.s32 v6;
	v7 =	vadd.f32 $-1.000000000e+00, v10  }
0x7b: {  	v11 =	vadd.f32 $-1.000000000e+00, v9;
	v8 =	vsel vm2, v14, v8;
	vm2 =	vge.f32 v9, v0  }
0x7c: {  	v7 =	vsel vm0, v7, v10;
	v8 =	vtrunc.f32 v8;
	v10 =	vsel vm1, v15, v12;
	v4 =	vld.idx.msk [tilespmem:v4+s2+$0x0], $0xffff  }
0x7d: {  	v9 =	vsel vm2, v11, v9;
	v7 =	vtrunc.f32 v7;
	v8 =	vcvt.f32.s32 v8  }
0x7e: {  	v10 =	vtrunc.f32 v10;
	v9 =	vtrunc.f32 v9  }
0x7f: {  	v7 =	vcvt.f32.s32 v7;
	v10 =	vcvt.f32.s32 v10  }
0x80: {  	v5 =	vmul.u32 $0x68, v5;
	v6 =	vmul.u32 $0x68, v6;
	v9 =	vcvt.f32.s32 v9  }
0x81: {  	v11 =	vand.u32 $0xFFFFFFF8, v10;
	[tilespmem:s13+$0xB0] =	vst v4;
	v4 =	vmul.u32 $0x68, v8;
	v8 =	vand.u32 $0xFFFFFFF8, v7  }
0x82: {  	v10 =	vand.u32 $0x7, v10;
	v7 =	vand.u32 $0x7, v7;
	v12 =	vld [tilespmem:s18+$0x140];
	v6 =	vadd.s32 v6, v8  }
0x83: {  	v5 =	vadd.s32 v5, v11;
	v11 =	vand.u32 $0xFFFFFFF8, v9;
	v8 =	vld [tilespmem:s18+$0x1C0];
	v6 =	vor.u32 v7, v6  }
0x84: {  	v5 =	vor.u32 v10, v5;
	v7 =	vand.u32 $0x7, v9;
	v4 =	vadd.s32 v4, v11  }
0x85: {  	v4 =	vor.u32 v7, v4;
	_ =	sdelay $0x1  }
0x86: {  	v7 =	vmul.f32 v12, v3  }
0x87: {  	v8 =	vmul.f32 v8, v2;
	v6 =	vld.idx.msk [tilespmem:v6+s2+$0x0], $0xffff  }
0x88: {  	v5 =	vld.idx.msk [tilespmem:v5+s2+$0x0], $0xffff;
	v9 =	vadd.f32 $-1.000000000e+00, v7  }
0x89: {  	vm0 =	vge.f32 v7, v1;
	v10 =	vadd.f32 $-1.000000000e+00, v8;
	v4 =	vld.idx.msk [tilespmem:v4+s2+$0x0], $0xffff  }
0x8a: {  	v7 =	vsel vm0, v9, v7;
	vm0 =	vge.f32 v8, v0  }
0x8b: {  	v8 =	vsel vm0, v10, v8;
	v7 =	vtrunc.f32 v7  }
0x8c: {  	v7 =	vcvt.f32.s32 v7;
	v8 =	vtrunc.f32 v8;
	[tilespmem:s13+$0xFFFFFF20] =	vst v6  }
0x8d: {  	[tilespmem:s13+$0xFFFFFFA0] =	vst v5;
	v6 =	vcvt.f32.s32 v8;
	v8 =	vld [tilespmem:s18+$0xFFFFFE30]  }
0x8e: {  	[tilespmem:s13+$0x20] =	vst v4;
	v5 =	vmul.u32 $0x68, v7;
	v7 =	vld [tilespmem:s18+$0xFFFFFF30]  }
0x8f: {  	v9 =	vld [tilespmem:s18+$0x30]  }
0x90: {  	v10 =	vld [tilespmem:s18+$0xB0];
	v4 =	vand.u32 $0xFFFFFFF8, v6  }
0x91: {  	v6 =	vand.u32 $0x7, v6;
	v4 =	vadd.s32 v5, v4;
	v5 =	vld [tilespmem:s18+$0xFFFFFEB0]  }
0x92: {  	v4 =	vor.u32 v6, v4;
	v6 =	vld [tilespmem:s18+$0xFFFFFFB0]  }
0x93: {  	v8 =	vmul.f32 v8, v3  }
0x94: {  	v7 =	vmul.f32 v7, v3;
	v9 =	vmul.f32 v9, v3  }
0x95: {  	v10 =	vmul.f32 v10, v2;
	vm0 =	vge.f32 v8, v1;
	v11 =	vadd.f32 $-1.000000000e+00, v8  }
0x96: {  	v5 =	vmul.f32 v5, v2;
	vm1 =	vge.f32 v7, v1;
	v12 =	vadd.f32 $-1.000000000e+00, v7  }
0x97: {  	vm2 =	vge.f32 v9, v1;
	v13 =	vadd.f32 $-1.000000000e+00, v9;
	v6 =	vmul.f32 v6, v2  }
0x98: {  	v4 =	vld.idx.msk [tilespmem:v4+s2+$0x0], $0xffff;
	v8 =	vsel vm0, v11, v8;
	v11 =	vadd.f32 $-1.000000000e+00, v5;
	v7 =	vsel vm1, v12, v7  }
0x99: {  	v9 =	vsel vm2, v13, v9;
	vm0 =	vge.f32 v5, v0;
	v13 =	vadd.f32 $-1.000000000e+00, v10  }
0x9a: {  	v8 =	vtrunc.f32 v8;
	vm2 =	vge.f32 v10, v0;
	v12 =	vadd.f32 $-1.000000000e+00, v6  }
0x9b: {  	vm1 =	vge.f32 v6, v0;
	v7 =	vtrunc.f32 v7;
	v8 =	vcvt.f32.s32 v8  }
0x9c: {  	v7 =	vcvt.f32.s32 v7;
	v10 =	vsel vm2, v13, v10;
	v6 =	vsel vm1, v12, v6  }
0x9d: {  	v10 =	vtrunc.f32 v10;
	[tilespmem:s13+$0xC0] =	vst v4;
	v4 =	vsel vm0, v11, v5;
	v5 =	vtrunc.f32 v9  }
0x9e: {  	v6 =	vtrunc.f32 v6;
	v9 =	vld [tilespmem:s18+$0x150];
	v4 =	vtrunc.f32 v4  }
0x9f: {  	v8 =	vmul.u32 $0x68, v8;
	v11 =	vld [tilespmem:s18+$0x1D0];
	v5 =	vcvt.f32.s32 v5;
	v6 =	vcvt.f32.s32 v6  }
0xa0: {  	v7 =	vmul.u32 $0x68, v7;
	v10 =	vcvt.f32.s32 v10;
	v4 =	vcvt.f32.s32 v4  }
0xa1: {  	v5 =	vmul.u32 $0x68, v5;
	v13 =	vand.u32 $0xFFFFFFF8, v6;
	v6 =	vand.u32 $0x7, v6  }
0xa2: {  	v12 =	vand.u32 $0xFFFFFFF8, v4;
	v7 =	vadd.s32 v7, v13;
	v4 =	vand.u32 $0x7, v4  }
0xa3: {  	v8 =	vadd.s32 v8, v12;
	v6 =	vor.u32 v6, v7;
	v9 =	vmul.f32 v9, v3  }
0xa4: {  	v12 =	vand.u32 $0xFFFFFFF8, v10;
	v10 =	vand.u32 $0x7, v10;
	v11 =	vmul.f32 v11, v2  }
0xa5: {  	v5 =	vadd.s32 v5, v12;
	v4 =	vor.u32 v4, v8;
	v13 =	vadd.f32 $-1.000000000e+00, v9  }
0xa6: {  	v5 =	vor.u32 v10, v5;
	vm0 =	vge.f32 v9, v1;
	v12 =	vadd.f32 $-1.000000000e+00, v11  }
0xa7: {  	v9 =	vsel vm0, v13, v9;
	vm0 =	vge.f32 v11, v0  }
0xa8: {  	v6 =	vld.idx.msk [tilespmem:v6+s2+$0x0], $0xffff;
	v11 =	vsel vm0, v12, v11;
	v9 =	vtrunc.f32 v9  }
0xa9: {  	v8 =	vcvt.f32.s32 v9;
	v9 =	vtrunc.f32 v11  }
0xaa: {  	v4 =	vld.idx.msk [tilespmem:v4+s2+$0x0], $0xffff;
	v7 =	vcvt.f32.s32 v9  }
0xab: {  	s15 =	simm.s32 $0x2EA0;
	v5 =	vld.idx.msk [tilespmem:v5+s2+$0x0], $0xffff;
	v8 =	vmul.u32 $0x68, v8  }
0xac: {  	v14 =	vld [tilespmem:s15+$0x180];
	v9 =	vand.u32 $0xFFFFFFF8, v7  }
0xad: {  	v12 =	vld [tilespmem:s15+$0x100];
	v7 =	vand.u32 $0x7, v7;
	[tilespmem:s13+$0xFFFFFFB0] =	vst v6;
	v8 =	vadd.s32 v8, v9  }
0xae: {  	v6 =	vld [tilespmem:s18+$0xFFFFFF40];
	v7 =	vor.u32 v7, v8  }
0xaf: {  	[tilespmem:s13+$0xFFFFFF30] =	vst v4;
	v9 =	vld [tilespmem:s18+$0xFFFFFFC0]  }
0xb0: {  	v4 =	vld [tilespmem:s18+$0xFFFFFE40];
	[tilespmem:s13+$0x30] =	vst v5  }
0xb1: {  	v5 =	vld [tilespmem:s18+$0x40]  }
0xb2: {  	v8 =	vld [tilespmem:s18+$0xFFFFFEC0]  }
0xb3: {  	v7 =	vld.idx.msk [tilespmem:v7+s2+$0x0], $0xffff  }
0xb4: {  	v14 =	vmul.f32 v14, v2;
	v11 =	vld [tilespmem:s18+$0xC0]  }
0xb5: {  	v12 =	vmul.f32 v12, v3  }
0xb6: {  	v18 =	vadd.f32 $-1.000000000e+00, v14;
	v6 =	vmul.f32 v6, v3;
	v5 =	vmul.f32 v5, v3  }
0xb7: {  	v17 =	vadd.f32 $-1.000000000e+00, v12;
	v9 =	vmul.f32 v9, v2;
	v4 =	vmul.f32 v4, v3  }
0xb8: {  	v8 =	vmul.f32 v8, v2;
	vm1 =	vge.f32 v6, v1;
	v16 =	vadd.f32 $-1.000000000e+00, v5;
	[tilespmem:s13+$0xD0] =	vst v7  }
0xb9: {  	v15 =	vadd.f32 $-1.000000000e+00, v6;
	v11 =	vmul.f32 v11, v2;
	vm2 =	vge.f32 v5, v1;
	v7 =	vld [tilespmem:s18+$0x160]  }
0xba: {  	vm0 =	vge.f32 v4, v1;
	v5 =	vsel vm2, v16, v5;
	vm2 =	vge.f32 v12, v1;
	v10 =	vld [tilespmem:s18+$0x1E0]  }
0xbb: {  	v13 =	vadd.f32 $-1.000000000e+00, v4;
	v12 =	vsel vm2, v17, v12;
	vm2 =	vge.f32 v14, v0  }
0xbc: {  	v6 =	vsel vm1, v15, v6;
	v14 =	vsel vm2, v18, v14;
	v12 =	vtrunc.f32 v12  }
0xbd: {  	v15 =	vadd.f32 $-1.000000000e+00, v9;
	v12 =	vcvt.f32.s32 v12;
	v14 =	vtrunc.f32 v14  }
0xbe: {  	v4 =	vsel vm0, v13, v4;
	v18 =	vld [tilespmem:s15+$0xFFFFFE00];
	v14 =	vcvt.f32.s32 v14;
	v7 =	vmul.f32 v7, v3  }
0xbf: {  	v6 =	vtrunc.f32 v6;
	v12 =	vmul.u32 $0x68, v12;
	v10 =	vmul.f32 v10, v2  }
0xc0: {  	v22 =	vand.u32 $0xFFFFFFF8, v14;
	v14 =	vand.u32 $0x7, v14;
	v16 =	vadd.f32 $-1.000000000e+00, v7  }
0xc1: {  	v12 =	vadd.s32 v12, v22;
	vm1 =	vge.f32 v7, v1;
	v19 =	vadd.f32 $-1.000000000e+00, v10  }
0xc2: {  	v12 =	vor.u32 v14, v12;
	v7 =	vsel vm1, v16, v7;
	vm1 =	vge.f32 v10, v0  }
0xc3: {  	v21 =	vld [tilespmem:s15+$0xFFFFFF80];
	v14 =	vmul.f32 v18, v3;
	v10 =	vsel vm1, v19, v10;
	v7 =	vtrunc.f32 v7  }
0xc4: {  	v13 =	vadd.f32 $-1.000000000e+00, v8;
	v16 =	vld [tilespmem:s15+$0xFFFFFF00];
	v7 =	vcvt.f32.s32 v7;
	v10 =	vtrunc.f32 v10  }
0xc5: {  	vm0 =	vge.f32 v8, v0;
	v4 =	vtrunc.f32 v4;
	v17 =	vld [tilespmem:s15+$0x0];
	v10 =	vcvt.f32.s32 v10  }
0xc6: {  	v6 =	vcvt.f32.s32 v6;
	v18 =	vadd.f32 $-1.000000000e+00, v14;
	v19 =	vld [tilespmem:s15+$0xFFFFFE80];
	v7 =	vmul.u32 $0x68, v7  }
0xc7: {  	v23 =	vld [tilespmem:s15+$0x80];
	v5 =	vtrunc.f32 v5;
	vm2 =	vge.f32 v14, v1;
	v22 =	vand.u32 $0xFFFFFFF8, v10  }
0xc8: {  	v14 =	vsel vm2, v18, v14;
	v10 =	vand.u32 $0x7, v10;
	v7 =	vadd.s32 v7, v22  }
0xc9: {  	v14 =	vtrunc.f32 v14;
	v7 =	vor.u32 v10, v7;
	v10 =	vmul.f32 v16, v3  }
0xca: {  	v8 =	vsel vm0, v13, v8;
	v14 =	vcvt.f32.s32 v14;
	v16 =	vmul.f32 v17, v3  }
0xcb: {  	v17 =	vmul.f32 v19, v2;
	v19 =	vmul.f32 v21, v2;
	v21 =	vadd.f32 $-1.000000000e+00, v10  }
0xcc: {  	v12 =	vld.idx.msk [tilespmem:v12+s2+$0x0], $0xffff;
	v22 =	vmul.f32 v23, v2;
	v23 =	vadd.f32 $-1.000000000e+00, v16;
	vm2 =	vge.f32 v10, v1  }
0xcd: {  	v14 =	vmul.u32 $0x68, v14;
	v10 =	vsel vm2, v21, v10;
	vm2 =	vge.f32 v16, v1  }
0xce: {  	v18 =	vadd.f32 $-1.000000000e+00, v17;
	v21 =	vadd.f32 $-1.000000000e+00, v19;
	v16 =	vsel vm2, v23, v16  }
0xcf: {  	vm2 =	vge.f32 v17, v0;
	v23 =	vadd.f32 $-1.000000000e+00, v22;
	v10 =	vtrunc.f32 v10  }
0xd0: {  	s14 =	simm.s32 $0x12BA0;
	v17 =	vsel vm2, v18, v17;
	vm2 =	vge.f32 v19, v0;
	v16 =	vtrunc.f32 v16  }
0xd1: {  	[tilespmem:s14+$0x80] =	vst v12;
	v10 =	vcvt.f32.s32 v10;
	v18 =	vsel vm2, v21, v19;
	vm2 =	vge.f32 v22, v0  }
0xd2: {  	v12 =	vcvt.f32.s32 v16;
	v16 =	vtrunc.f32 v17;
	v17 =	vld [tilespmem:s15+$0x110];
	v19 =	vsel vm2, v23, v22  }
0xd3: {  	v21 =	vld [tilespmem:s15+$0x190];
	v18 =	vtrunc.f32 v18;
	v16 =	vcvt.f32.s32 v16;
	v10 =	vmul.u32 $0x68, v10  }
0xd4: {  	v19 =	vtrunc.f32 v19;
	v18 =	vcvt.f32.s32 v18;
	v12 =	vmul.u32 $0x68, v12  }
0xd5: {  	v7 =	vld.idx.msk [tilespmem:v7+s2+$0x0], $0xffff;
	v19 =	vcvt.f32.s32 v19;
	v22 =	vand.u32 $0xFFFFFFF8, v16;
	v16 =	vand.u32 $0x7, v16  }
0xd6: {  	v23 =	vand.u32 $0xFFFFFFF8, v18;
	v14 =	vadd.s32 v14, v22;
	v18 =	vand.u32 $0x7, v18  }
0xd7: {  	v10 =	vadd.s32 v10, v23;
	v17 =	vmul.f32 v17, v3;
	v22 =	vand.u32 $0xFFFFFFF8, v19  }
0xd8: {  	v21 =	vmul.f32 v21, v2;
	v14 =	vor.u32 v16, v14;
	v19 =	vand.u32 $0x7, v19  }
0xd9: {  	v12 =	vadd.s32 v12, v22;
	v10 =	vor.u32 v18, v10;
	v16 =	vadd.f32 $-1.000000000e+00, v17  }
0xda: {  	[tilespmem:s13+$0xE0] =	vst v7;
	vm2 =	vge.f32 v17, v1;
	v22 =	vadd.f32 $-1.000000000e+00, v21;
	v7 =	vor.u32 v19, v12  }
0xdb: {  	v4 =	vcvt.f32.s32 v4;
	v16 =	vsel vm2, v16, v17;
	vm2 =	vge.f32 v21, v0  }
0xdc: {  	v5 =	vcvt.f32.s32 v5;
	v13 =	vld [tilespmem:s18+$0x1F0];
	v12 =	vsel vm2, v22, v21;
	v16 =	vtrunc.f32 v16  }
0xdd: {  	v20 =	vadd.f32 $-1.000000000e+00, v11;
	v14 =	vld.idx.msk [tilespmem:v14+s2+$0x0], $0xffff;
	v16 =	vcvt.f32.s32 v16;
	v12 =	vtrunc.f32 v12  }
0xde: {  	v8 =	vtrunc.f32 v8;
	vm1 =	vge.f32 v9, v0;
	v10 =	vld.idx.msk [tilespmem:v10+s2+$0x0], $0xffff;
	v12 =	vcvt.f32.s32 v12  }
0xdf: {  	v6 =	vmul.u32 $0x68, v6;
	v9 =	vsel vm1, v15, v9;
	v7 =	vld.idx.msk [tilespmem:v7+s2+$0x0], $0xffff;
	v15 =	vmul.u32 $0x68, v16  }
0xe0: {  	v9 =	vtrunc.f32 v9;
	v17 =	vld [tilespmem:s18+$0x170];
	vm2 =	vge.f32 v11, v0;
	v16 =	vand.u32 $0xFFFFFFF8, v12  }
0xe1: {  	v11 =	vsel vm2, v20, v11;
	v12 =	vand.u32 $0x7, v12;
	v15 =	vadd.s32 v15, v16  }
0xe2: {  	v13 =	vmul.f32 v13, v2;
	v11 =	vtrunc.f32 v11;
	[tilespmem:s14+$0xFFFFFF00] =	vst v14;
	v12 =	vor.u32 v12, v15  }
0xe3: {  	v4 =	vmul.u32 $0x68, v4;
	v9 =	vcvt.f32.s32 v9;
	v11 =	vcvt.f32.s32 v11;
	v15 =	vld [tilespmem:s15+$0xFFFFFE10];
	[tilespmem:s14+$0xFFFFFF80] =	vst v10  }
0xe4: {  	v8 =	vcvt.f32.s32 v8;
	v5 =	vmul.u32 $0x68, v5;
	v19 =	vadd.f32 $-1.000000000e+00, v13;
	v16 =	vld [tilespmem:s15+$0xFFFFFF10];
	[tilespmem:s14+$0x0] =	vst v7  }
0xe5: {  	v14 =	vmul.f32 v17, v3;
	v20 =	vand.u32 $0xFFFFFFF8, v11;
	v7 =	vand.u32 $0xFFFFFFF8, v9;
	v18 =	vld [tilespmem:s15+$0x10]  }
0xe6: {  	v10 =	vand.u32 $0xFFFFFFF8, v8;
	v6 =	vadd.s32 v6, v7;
	v7 =	vand.u32 $0x7, v8;
	v8 =	vld [tilespmem:s15+$0xFFFFFE90]  }
0xe7: {  	v11 =	vand.u32 $0x7, v11;
	v5 =	vadd.s32 v5, v20;
	v4 =	vadd.s32 v4, v10;
	v10 =	vld.idx.msk [tilespmem:v12+s2+$0x0], $0xffff  }
0xe8: {  	v9 =	vand.u32 $0x7, v9;
	v4 =	vor.u32 v7, v4;
	v7 =	vmul.f32 v15, v3;
	v12 =	vld [tilespmem:s15+$0xFFFFFF90]  }
0xe9: {  	v17 =	vadd.f32 $-1.000000000e+00, v14;
	v6 =	vor.u32 v9, v6;
	v15 =	vld [tilespmem:s15+$0x90];
	v9 =	vmul.f32 v16, v3  }
0xea: {  	v5 =	vor.u32 v11, v5;
	v11 =	vadd.f32 $-1.000000000e+00, v7;
	v16 =	vmul.f32 v18, v3  }
0xeb: {  	vm1 =	vge.f32 v7, v1;
	v8 =	vmul.f32 v8, v2;
	vm2 =	vge.f32 v9, v1  }
0xec: {  	v18 =	vadd.f32 $-1.000000000e+00, v9;
	v7 =	vsel vm1, v11, v7;
	vm1 =	vge.f32 v16, v1  }
0xed: {  	v20 =	vadd.f32 $-1.000000000e+00, v8;
	[tilespmem:s14+$0x90] =	vst v10;
	v10 =	vadd.f32 $-1.000000000e+00, v16;
	v12 =	vmul.f32 v12, v2  }
0xee: {  	v9 =	vsel vm2, v18, v9;
	v15 =	vmul.f32 v15, v2;
	v7 =	vtrunc.f32 v7;
	v11 =	vld [tilespmem:s15+$0x120]  }
0xef: {  	v18 =	vld [tilespmem:s15+$0x1A0];
	v9 =	vtrunc.f32 v9;
	v7 =	vcvt.f32.s32 v7;
	v10 =	vsel vm1, v10, v16  }
0xf0: {  	vm1 =	vge.f32 v8, v0;
	vm2 =	vge.f32 v12, v0;
	v16 =	vadd.f32 $-1.000000000e+00, v12  }
0xf1: {  	v9 =	vcvt.f32.s32 v9;
	v8 =	vsel vm1, v20, v8;
	vm1 =	vge.f32 v15, v0  }
0xf2: {  	v20 =	vadd.f32 $-1.000000000e+00, v15;
	v10 =	vtrunc.f32 v10;
	v7 =	vmul.u32 $0x68, v7  }
0xf3: {  	v12 =	vsel vm2, v16, v12;
	v10 =	vcvt.f32.s32 v10;
	v11 =	vmul.f32 v11, v3  }
0xf4: {  	v6 =	vld.idx.msk [tilespmem:v6+s2+$0x0], $0xffff;
	v8 =	vtrunc.f32 v8;
	v9 =	vmul.u32 $0x68, v9;
	v16 =	vmul.f32 v18, v2  }
0xf5: {  	v4 =	vld.idx.msk [tilespmem:v4+s2+$0x0], $0xffff;
	v12 =	vtrunc.f32 v12;
	v15 =	vsel vm1, v20, v15;
	v18 =	vadd.f32 $-1.000000000e+00, v11  }
0xf6: {  	v8 =	vcvt.f32.s32 v8;
	vm2 =	vge.f32 v11, v1;
	v21 =	vadd.f32 $-1.000000000e+00, v16  }
0xf7: {  	v5 =	vld.idx.msk [tilespmem:v5+s2+$0x0], $0xffff;
	v15 =	vtrunc.f32 v15;
	v11 =	vsel vm2, v18, v11;
	vm2 =	vge.f32 v16, v0  }
0xf8: {  	v12 =	vcvt.f32.s32 v12;
	v16 =	vsel vm2, v21, v16;
	v11 =	vtrunc.f32 v11  }
0xf9: {  	[tilespmem:s13+$0xFFFFFFC0] =	vst v6;
	v6 =	vmul.u32 $0x68, v10;
	v11 =	vcvt.f32.s32 v11;
	v16 =	vtrunc.f32 v16  }
0xfa: {  	[tilespmem:s13+$0xFFFFFF40] =	vst v4;
	v15 =	vcvt.f32.s32 v15;
	v4 =	vand.u32 $0xFFFFFFF8, v8;
	v16 =	vcvt.f32.s32 v16  }
0xfb: {  	v10 =	vand.u32 $0xFFFFFFF8, v12;
	v4 =	vadd.s32 v7, v4;
	v11 =	vmul.u32 $0x68, v11  }
0xfc: {  	[tilespmem:s13+$0x40] =	vst v5;
	v7 =	vand.u32 $0x7, v8;
	v5 =	vand.u32 $0xFFFFFFF8, v15;
	v18 =	vand.u32 $0xFFFFFFF8, v16  }
0xfd: {  	v4 =	vor.u32 v7, v4;
	v16 =	vand.u32 $0x7, v16;
	v11 =	vadd.s32 v11, v18  }
0xfe: {  	v8 =	vld [tilespmem:s18+$0x50];
	v9 =	vadd.s32 v9, v10;
	v7 =	vand.u32 $0x7, v12;
	v11 =	vor.u32 v16, v11  }
0xff: {  	vm0 =	vge.f32 v14, v1;
	v10 =	vld [tilespmem:s18+$0xFFFFFED0];
	v5 =	vadd.s32 v6, v5;
	v7 =	vor.u32 v7, v9  }
0x100: {  	v12 =	vld [tilespmem:s18+$0xFFFFFFD0];
	v6 =	vand.u32 $0x7, v15;
	v9 =	vsel vm0, v17, v14;
	vm0 =	vge.f32 v13, v0  }
0x101: {  	v5 =	vor.u32 v6, v5;
	v6 =	vsel vm0, v19, v13;
	v13 =	vld [tilespmem:s18+$0xD0]  }
0x102: {  	v14 =	vld.idx.msk [tilespmem:v4+s2+$0x0], $0xffff  }
0x103: {  	v11 =	vld.idx.msk [tilespmem:v11+s2+$0x0], $0xffff  }
0x104: {  	v7 =	vld.idx.msk [tilespmem:v7+s2+$0x0], $0xffff  }
0x105: {  	v9 =	vtrunc.f32 v9;
	v18 =	vld [tilespmem:s18+$0xFFFFFE50]  }
0x106: {  	v9 =	vcvt.f32.s32 v9;
	v6 =	vtrunc.f32 v6;
	v16 =	vld [tilespmem:s18+$0xFFFFFF50]  }
0x107: {  	v6 =	vcvt.f32.s32 v6;
	v5 =	vld.idx.msk [tilespmem:v5+s2+$0x0], $0xffff  }
0x108: {  	v8 =	vmul.f32 v8, v3;
	v4 =	vmul.u32 $0x68, v9;
	v10 =	vmul.f32 v10, v2;
	[tilespmem:s14+$0xA0] =	vst v11  }
0x109: {  	v12 =	vmul.f32 v12, v2;
	v9 =	vand.u32 $0xFFFFFFF8, v6;
	v6 =	vand.u32 $0x7, v6;
	[tilespmem:s14+$0xFFFFFF10] =	vst v14;
	v11 =	vld [tilespmem:s15+$0x130]  }
0x10a: {  	v4 =	vadd.s32 v4, v9;
	[tilespmem:s14+$0xFFFFFF90] =	vst v7;
	v7 =	vadd.f32 $-1.000000000e+00, v8;
	v9 =	vmul.f32 v18, v3;
	v14 =	vld [tilespmem:s15+$0x1B0]  }
0x10b: {  	vm2 =	vge.f32 v8, v1;
	v4 =	vor.u32 v6, v4;
	v17 =	vld [tilespmem:s15+$0xFFFFFE20];
	v6 =	vmul.f32 v16, v3  }
0x10c: {  	v13 =	vmul.f32 v13, v2;
	v19 =	vld [tilespmem:s15+$0xFFFFFF20];
	[tilespmem:s14+$0x10] =	vst v5;
	v7 =	vsel vm2, v7, v8;
	v15 =	vadd.f32 $-1.000000000e+00, v9  }
0x10d: {  	v20 =	vld [tilespmem:s15+$0x20];
	vm0 =	vge.f32 v9, v1;
	v7 =	vtrunc.f32 v7;
	v16 =	vadd.f32 $-1.000000000e+00, v6  }
0x10e: {  	v22 =	vld [tilespmem:s15+$0xA0];
	vm1 =	vge.f32 v6, v1;
	v7 =	vcvt.f32.s32 v7;
	v11 =	vmul.f32 v11, v3  }
0x10f: {  	v9 =	vsel vm0, v15, v9;
	v6 =	vsel vm1, v16, v6;
	v8 =	vmul.f32 v14, v2  }
0x110: {  	v9 =	vtrunc.f32 v9;
	v16 =	vmul.f32 v17, v3;
	v17 =	vadd.f32 $-1.000000000e+00, v11  }
0x111: {  	v15 =	vld [tilespmem:s15+$0xFFFFFEA0];
	v19 =	vmul.f32 v19, v3;
	vm0 =	vge.f32 v11, v1;
	v23 =	vadd.f32 $-1.000000000e+00, v8  }
0x112: {  	v20 =	vmul.f32 v20, v3;
	v14 =	vld [tilespmem:s15+$0xFFFFFFA0];
	v11 =	vsel vm0, v17, v11;
	vm0 =	vge.f32 v8, v0  }
0x113: {  	v22 =	vmul.f32 v22, v2;
	v8 =	vsel vm0, v23, v8;
	v11 =	vtrunc.f32 v11  }
0x114: {  	v21 =	vadd.f32 $-1.000000000e+00, v13;
	v11 =	vcvt.f32.s32 v11;
	v8 =	vtrunc.f32 v8  }
0x115: {  	vm1 =	vge.f32 v16, v1;
	vm2 =	vge.f32 v19, v1;
	v8 =	vcvt.f32.s32 v8  }
0x116: {  	v24 =	vadd.f32 $-1.000000000e+00, v20;
	v15 =	vmul.f32 v15, v2;
	v11 =	vmul.u32 $0x68, v11  }
0x117: {  	v17 =	vadd.f32 $-1.000000000e+00, v16;
	v14 =	vmul.f32 v14, v2;
	v25 =	vand.u32 $0xFFFFFFF8, v8  }
0x118: {  	v23 =	vadd.f32 $-1.000000000e+00, v19;
	v8 =	vand.u32 $0x7, v8;
	v11 =	vadd.s32 v11, v25  }
0x119: {  	v26 =	vadd.f32 $-1.000000000e+00, v15;
	v25 =	vadd.f32 $-1.000000000e+00, v14;
	v8 =	vor.u32 v8, v11  }
0x11a: {  	v11 =	vsel vm1, v17, v16;
	vm1 =	vge.f32 v20, v1;
	v16 =	vsel vm2, v23, v19  }
0x11b: {  	v17 =	vadd.f32 $-1.000000000e+00, v22;
	vm2 =	vge.f32 v15, v0;
	v19 =	vsel vm1, v24, v20  }
0x11c: {  	vm1 =	vge.f32 v14, v0;
	v11 =	vtrunc.f32 v11;
	v16 =	vtrunc.f32 v16  }
0x11d: {  	v15 =	vsel vm2, v26, v15;
	vm2 =	vge.f32 v22, v0;
	v19 =	vtrunc.f32 v19  }
0x11e: {  	v14 =	vsel vm1, v25, v14;
	v11 =	vcvt.f32.s32 v11;
	v16 =	vcvt.f32.s32 v16  }
0x11f: {  	v17 =	vsel vm2, v17, v22;
	v15 =	vtrunc.f32 v15;
	v19 =	vcvt.f32.s32 v19;
	v8 =	vld.idx.msk [tilespmem:v8+s2+$0x0], $0xffff  }
0x120: {  	v18 =	vadd.f32 $-1.000000000e+00, v10;
	v14 =	vtrunc.f32 v14;
	v17 =	vtrunc.f32 v17  }
0x121: {  	v5 =	vadd.f32 $-1.000000000e+00, v12;
	v15 =	vcvt.f32.s32 v15;
	v14 =	vcvt.f32.s32 v14  }
0x122: {  	v11 =	vmul.u32 $0x68, v11;
	v16 =	vmul.u32 $0x68, v16;
	v17 =	vcvt.f32.s32 v17  }
0x123: {  	v19 =	vmul.u32 $0x68, v19;
	v20 =	vand.u32 $0xFFFFFFF8, v15;
	v22 =	vand.u32 $0xFFFFFFF8, v14  }
0x124: {  	v11 =	vadd.s32 v11, v20;
	v20 =	vand.u32 $0xFFFFFFF8, v17;
	[tilespmem:s14+$0xB0] =	vst v8;
	v8 =	vand.u32 $0x7, v15  }
0x125: {  	v14 =	vand.u32 $0x7, v14;
	v15 =	vadd.s32 v16, v22;
	v16 =	vld [tilespmem:s15+$0x140];
	v8 =	vor.u32 v8, v11  }
0x126: {  	v17 =	vand.u32 $0x7, v17;
	v19 =	vadd.s32 v19, v20;
	v11 =	vld [tilespmem:s15+$0x1C0];
	v14 =	vor.u32 v14, v15  }
0x127: {  	v6 =	vtrunc.f32 v6;
	v9 =	vcvt.f32.s32 v9;
	v15 =	vor.u32 v17, v19  }
0x128: {  	v7 =	vmul.u32 $0x68, v7;
	v6 =	vcvt.f32.s32 v6;
	vm0 =	vge.f32 v10, v0  }
0x129: {  	v9 =	vmul.u32 $0x68, v9;
	v10 =	vsel vm0, v18, v10;
	vm1 =	vge.f32 v12, v0  }
0x12a: {  	v10 =	vtrunc.f32 v10;
	v5 =	vsel vm1, v5, v12;
	v12 =	vmul.f32 v16, v3;
	v8 =	vld.idx.msk [tilespmem:v8+s2+$0x0], $0xffff  }
0x12b: {  	v10 =	vcvt.f32.s32 v10;
	vm2 =	vge.f32 v13, v0;
	v11 =	vmul.f32 v11, v2;
	v14 =	vld.idx.msk [tilespmem:v14+s2+$0x0], $0xffff  }
0x12c: {  	v13 =	vsel vm2, v21, v13;
	v5 =	vtrunc.f32 v5;
	v15 =	vld.idx.msk [tilespmem:v15+s2+$0x0], $0xffff;
	v16 =	vadd.f32 $-1.000000000e+00, v12  }
0x12d: {  	v13 =	vtrunc.f32 v13;
	vm0 =	vge.f32 v12, v1;
	v17 =	vadd.f32 $-1.000000000e+00, v11  }
0x12e: {  	v5 =	vcvt.f32.s32 v5;
	v12 =	vsel vm0, v16, v12;
	vm0 =	vge.f32 v11, v0  }
0x12f: {  	v11 =	vsel vm0, v17, v11;
	v12 =	vtrunc.f32 v12;
	[tilespmem:s14+$0xFFFFFF20] =	vst v8;
	v8 =	vcvt.f32.s32 v13  }
0x130: {  	v6 =	vmul.u32 $0x68, v6;
	[tilespmem:s14+$0xFFFFFFA0] =	vst v14;
	v12 =	vcvt.f32.s32 v12;
	v11 =	vtrunc.f32 v11;
	v13 =	vld [tilespmem:s15+$0xFFFFFE30]  }
0x131: {  	v16 =	vand.u32 $0xFFFFFFF8, v5;
	v14 =	vand.u32 $0xFFFFFFF8, v10;
	[tilespmem:s14+$0x20] =	vst v15;
	v17 =	vld [tilespmem:s15+$0xFFFFFF30];
	v11 =	vcvt.f32.s32 v11  }
0x132: {  	s16 =	simm.s32 $0x32A0;
	v10 =	vand.u32 $0x7, v10;
	v9 =	vadd.s32 v9, v14;
	v15 =	vld [tilespmem:s15+$0x30];
	v12 =	vmul.u32 $0x68, v12  }
0x133: {  	v27 =	vld [tilespmem:s16+$0xFFFFFE00];
	v5 =	vand.u32 $0x7, v5;
	v9 =	vor.u32 v10, v9;
	v14 =	vand.u32 $0xFFFFFFF8, v11  }
0x134: {  	v6 =	vadd.s32 v6, v16;
	v10 =	vand.u32 $0x7, v11;
	v11 =	vadd.s32 v12, v14;
	v12 =	vld [tilespmem:s15+$0xFFFFFEB0]  }
0x135: {  	v5 =	vor.u32 v5, v6;
	v6 =	vand.u32 $0x7, v8;
	v14 =	vand.u32 $0xFFFFFFF8, v8;
	v8 =	vld [tilespmem:s15+$0xB0]  }
0x136: {  	v10 =	vor.u32 v10, v11;
	v11 =	vld [tilespmem:s15+$0xFFFFFFB0];
	v7 =	vadd.s32 v7, v14;
	v13 =	vmul.f32 v13, v3  }
0x137: {  	v14 =	vmul.f32 v17, v3;
	v6 =	vor.u32 v6, v7;
	v7 =	vmul.f32 v15, v3  }
0x138: {  	v27 =	vmul.f32 v27, v3;
	v9 =	vld.idx.msk [tilespmem:v9+s2+$0x0], $0xffff;
	vm0 =	vge.f32 v13, v1;
	v15 =	vadd.f32 $-1.000000000e+00, v13  }
0x139: {  	vm1 =	vge.f32 v14, v1;
	v16 =	vadd.f32 $-1.000000000e+00, v14;
	vm2 =	vge.f32 v7, v1  }
0x13a: {  	v17 =	vadd.f32 $-1.000000000e+00, v7;
	v12 =	vmul.f32 v12, v2;
	v13 =	vsel vm0, v15, v13  }
0x13b: {  	v8 =	vmul.f32 v8, v2;
	v14 =	vsel vm1, v16, v14;
	v11 =	vmul.f32 v11, v2  }
0x13c: {  	v10 =	vld.idx.msk [tilespmem:v10+s2+$0x0], $0xffff;
	v7 =	vsel vm2, v17, v7;
	v13 =	vtrunc.f32 v13;
	v14 =	vtrunc.f32 v14  }
0x13d: {  	v15 =	vadd.f32 $-1.000000000e+00, v12;
	vm0 =	vge.f32 v12, v0;
	[tilespmem:s13+$0xFFFFFF50] =	vst v9;
	v9 =	vadd.f32 $-1.000000000e+00, v8  }
0x13e: {  	v5 =	vld.idx.msk [tilespmem:v5+s2+$0x0], $0xffff;
	vm2 =	vge.f32 v8, v0;
	v7 =	vtrunc.f32 v7;
	v16 =	vadd.f32 $-1.000000000e+00, v11  }
0x13f: {  	v17 =	vld [tilespmem:s18+$0xFFFFFE60];
	v7 =	vcvt.f32.s32 v7;
	v12 =	vsel vm0, v15, v12;
	v8 =	vsel vm2, v9, v8  }
0x140: {  	v6 =	vld.idx.msk [tilespmem:v6+s2+$0x0], $0xffff;
	vm1 =	vge.f32 v11, v0;
	v9 =	vtrunc.f32 v12;
	v8 =	vtrunc.f32 v8  }
0x141: {  	[tilespmem:s14+$0xC0] =	vst v10;
	v10 =	vsel vm1, v16, v11;
	v11 =	vcvt.f32.s32 v13;
	v13 =	vcvt.f32.s32 v14  }
0x142: {  	v9 =	vcvt.f32.s32 v9;
	v14 =	vld [tilespmem:s15+$0x150];
	v10 =	vtrunc.f32 v10  }
0x143: {  	v7 =	vmul.u32 $0x68, v7;
	v8 =	vcvt.f32.s32 v8;
	v12 =	vld [tilespmem:s15+$0x1D0];
	v10 =	vcvt.f32.s32 v10  }
0x144: {  	[tilespmem:s13+$0xFFFFFFD0] =	vst v5;
	v11 =	vmul.u32 $0x68, v11;
	v13 =	vmul.u32 $0x68, v13;
	v15 =	vmul.f32 v17, v3  }
0x145: {  	[tilespmem:s13+$0x50] =	vst v6;
	v6 =	vld [tilespmem:s18+$0xFFFFFF60];
	v5 =	vand.u32 $0xFFFFFFF8, v9;
	v9 =	vand.u32 $0x7, v9;
	v16 =	vand.u32 $0xFFFFFFF8, v10  }
0x146: {  	v5 =	vadd.s32 v11, v5;
	v11 =	vand.u32 $0xFFFFFFF8, v8;
	v13 =	vadd.s32 v13, v16;
	v16 =	vld [tilespmem:s18+$0xFFFFFEE0]  }
0x147: {  	v19 =	vld [tilespmem:s18+$0xFFFFFFE0];
	v10 =	vand.u32 $0x7, v10;
	v8 =	vand.u32 $0x7, v8;
	v14 =	vmul.f32 v14, v3  }
0x148: {  	v7 =	vadd.s32 v7, v11;
	v5 =	vor.u32 v9, v5;
	v12 =	vmul.f32 v12, v2  }
0x149: {  	v17 =	vld [tilespmem:s18+$0x60];
	v10 =	vor.u32 v10, v13;
	v7 =	vor.u32 v8, v7;
	v11 =	vadd.f32 $-1.000000000e+00, v14  }
0x14a: {  	v6 =	vmul.f32 v6, v3;
	vm0 =	vge.f32 v14, v1;
	v18 =	vadd.f32 $-1.000000000e+00, v12  }
0x14b: {  	v11 =	vsel vm0, v11, v14;
	vm0 =	vge.f32 v12, v0;
	v13 =	vmul.f32 v16, v2  }
0x14c: {  	v14 =	vld [tilespmem:s18+$0xE0];
	v16 =	vmul.f32 v19, v2;
	v12 =	vsel vm0, v18, v12;
	v11 =	vtrunc.f32 v11  }
0x14d: {  	v9 =	vcvt.f32.s32 v11;
	v11 =	vtrunc.f32 v12  }
0x14e: {  	vm1 =	vge.f32 v6, v1;
	v8 =	vcvt.f32.s32 v11;
	v11 =	vmul.f32 v17, v3  }
0x14f: {  	v10 =	vld.idx.msk [tilespmem:v10+s2+$0x0], $0xffff;
	vm0 =	vge.f32 v15, v1;
	v19 =	vadd.f32 $-1.000000000e+00, v16;
	v9 =	vmul.u32 $0x68, v9  }
0x150: {  	v5 =	vld.idx.msk [tilespmem:v5+s2+$0x0], $0xffff;
	v12 =	vand.u32 $0xFFFFFFF8, v8;
	v8 =	vand.u32 $0x7, v8;
	v18 =	vadd.f32 $-1.000000000e+00, v11  }
0x151: {  	v7 =	vld.idx.msk [tilespmem:v7+s2+$0x0], $0xffff;
	v9 =	vadd.s32 v9, v12;
	v12 =	vmul.f32 v14, v2;
	v14 =	vadd.f32 $-1.000000000e+00, v6  }
0x152: {  	v17 =	vadd.f32 $-1.000000000e+00, v13;
	vm2 =	vge.f32 v11, v1;
	v8 =	vor.u32 v8, v9  }
0x153: {  	v9 =	vadd.f32 $-1.000000000e+00, v15;
	v11 =	vsel vm2, v18, v11;
	v6 =	vsel vm1, v14, v6  }
0x154: {  	[tilespmem:s14+$0xFFFFFFB0] =	vst v10;
	v14 =	vadd.f32 $-1.000000000e+00, v12;
	vm1 =	vge.f32 v16, v0;
	vm2 =	vge.f32 v12, v0  }
0x155: {  	[tilespmem:s14+$0xFFFFFF30] =	vst v5;
	v18 =	vld [tilespmem:s15+$0xFFFFFFC0];
	v9 =	vsel vm0, v9, v15;
	vm0 =	vge.f32 v13, v0;
	v6 =	vtrunc.f32 v6  }
0x156: {  	[tilespmem:s14+$0x30] =	vst v7;
	v10 =	vsel vm1, v19, v16;
	v5 =	vsel vm0, v17, v13;
	v6 =	vcvt.f32.s32 v6;
	v13 =	vld [tilespmem:s15+$0xFFFFFF40]  }
0x157: {  	v7 =	vsel vm2, v14, v12;
	v14 =	vld [tilespmem:s15+$0x40];
	v10 =	vtrunc.f32 v10;
	v5 =	vtrunc.f32 v5  }
0x158: {  	v12 =	vtrunc.f32 v7;
	v15 =	vld.idx.msk [tilespmem:v8+s2+$0x0], $0xffff;
	v8 =	vtrunc.f32 v9  }
0x159: {  	v17 =	vld [tilespmem:s15+$0xFFFFFEC0];
	v9 =	vtrunc.f32 v11;
	v7 =	vcvt.f32.s32 v5  }
0x15a: {  	v11 =	vld [tilespmem:s15+$0xFFFFFE40];
	v5 =	vcvt.f32.s32 v10;
	v8 =	vcvt.f32.s32 v8  }
0x15b: {  	v18 =	vmul.f32 v18, v2;
	v9 =	vcvt.f32.s32 v9  }
0x15c: {  	v10 =	vand.u32 $0xFFFFFFF8, v7;
	v7 =	vand.u32 $0x7, v7;
	v16 =	vmul.u32 $0x68, v8  }
0x15d: {  	v8 =	vmul.u32 $0x68, v6;
	v6 =	vcvt.f32.s32 v12;
	v9 =	vmul.u32 $0x68, v9  }
0x15e: {  	v12 =	vand.u32 $0xFFFFFFF8, v5;
	v19 =	vmul.f32 v13, v3;
	v14 =	vmul.f32 v14, v3;
	[tilespmem:s14+$0xD0] =	vst v15  }
0x15f: {  	v17 =	vmul.f32 v17, v2;
	v5 =	vand.u32 $0x7, v5;
	v11 =	vmul.f32 v11, v3;
	v15 =	vld [tilespmem:s15+$0x160]  }
0x160: {  	v10 =	vadd.s32 v16, v10;
	v13 =	vand.u32 $0xFFFFFFF8, v6;
	vm1 =	vge.f32 v19, v1;
	v20 =	vld [tilespmem:s15+$0x1E0]  }
0x161: {  	v22 =	vadd.f32 $-1.000000000e+00, v19;
	vm2 =	vge.f32 v14, v1;
	v23 =	vadd.f32 $-1.000000000e+00, v14  }
0x162: {  	v16 =	vld [tilespmem:s15+$0xC0];
	v8 =	vadd.s32 v8, v12;
	v9 =	vadd.s32 v9, v13;
	vm0 =	vge.f32 v11, v1  }
0x163: {  	v21 =	vadd.f32 $-1.000000000e+00, v11;
	v19 =	vsel vm1, v22, v19;
	v22 =	vadd.f32 $-1.000000000e+00, v18  }
0x164: {  	v14 =	vsel vm2, v23, v14;
	vm1 =	vge.f32 v17, v0;
	v15 =	vmul.f32 v15, v3  }
0x165: {  	v19 =	vtrunc.f32 v19;
	v11 =	vsel vm0, v21, v11;
	v20 =	vmul.f32 v20, v2  }
0x166: {  	v21 =	vadd.f32 $-1.000000000e+00, v17;
	v19 =	vcvt.f32.s32 v19;
	v24 =	vadd.f32 $-1.000000000e+00, v15  }
0x167: {  	v16 =	vmul.f32 v16, v2;
	vm0 =	vge.f32 v15, v1;
	v23 =	vadd.f32 $-1.000000000e+00, v20  }
0x168: {  	v11 =	vtrunc.f32 v11;
	v15 =	vsel vm0, v24, v15;
	vm0 =	vge.f32 v20, v0;
	v24 =	vld [tilespmem:s16+$0x100]  }
0x169: {  	v17 =	vsel vm1, v21, v17;
	v20 =	vsel vm0, v23, v20;
	v15 =	vtrunc.f32 v15;
	v23 =	vld [tilespmem:s16+$0x180]  }
0x16a: {  	v25 =	vadd.f32 $-1.000000000e+00, v16;
	v15 =	vcvt.f32.s32 v15;
	v20 =	vtrunc.f32 v20  }
0x16b: {  	v11 =	vcvt.f32.s32 v11;
	vm2 =	vge.f32 v16, v0;
	v20 =	vcvt.f32.s32 v20  }
0x16c: {  	v17 =	vtrunc.f32 v17;
	v16 =	vsel vm2, v25, v16;
	v15 =	vmul.u32 $0x68, v15  }
0x16d: {  	v25 =	vld [tilespmem:s16+$0xFFFFFF80];
	vm0 =	vge.f32 v18, v0;
	v21 =	vand.u32 $0xFFFFFFF8, v20;
	v24 =	vmul.f32 v24, v3  }
0x16e: {  	v20 =	vand.u32 $0x7, v20;
	v15 =	vadd.s32 v15, v21;
	v21 =	vmul.f32 v23, v2  }
0x16f: {  	v18 =	vsel vm0, v22, v18;
	v22 =	vld [tilespmem:s16+$0xFFFFFF00];
	v15 =	vor.u32 v20, v15;
	v20 =	vadd.f32 $-1.000000000e+00, v24  }
0x170: {  	v17 =	vcvt.f32.s32 v17;
	vm0 =	vge.f32 v24, v1;
	v26 =	vadd.f32 $-1.000000000e+00, v21  }
0x171: {  	v18 =	vtrunc.f32 v18;
	v23 =	vld [tilespmem:s16+$0x0];
	v20 =	vsel vm0, v20, v24;
	vm0 =	vge.f32 v21, v0  }
0x172: {  	v25 =	vmul.f32 v25, v2;
	v21 =	vsel vm0, v26, v21;
	v20 =	vtrunc.f32 v20  }
0x173: {  	v7 =	vor.u32 v7, v10;
	v24 =	vld [tilespmem:s16+$0xFFFFFE80];
	v20 =	vcvt.f32.s32 v20;
	v21 =	vtrunc.f32 v21  }
0x174: {  	v22 =	vmul.f32 v22, v3;
	v26 =	vmul.u32 $0x68, v11;
	v11 =	vld.idx.msk [tilespmem:v15+s2+$0x0], $0xffff;
	v15 =	vcvt.f32.s32 v21  }
0x175: {  	v18 =	vcvt.f32.s32 v18;
	v32 =	vadd.f32 $-1.000000000e+00, v25;
	v21 =	vld [tilespmem:s16+$0x80];
	v20 =	vmul.u32 $0x68, v20  }
0x176: {  	vm1 =	vge.f32 v22, v1;
	v23 =	vmul.f32 v23, v3;
	v28 =	vand.u32 $0xFFFFFFF8, v15  }
0x177: {  	vm0 =	vge.f32 v27, v1;
	v15 =	vand.u32 $0x7, v15;
	v20 =	vadd.s32 v20, v28  }
0x178: {  	v28 =	vadd.f32 $-1.000000000e+00, v23;
	v15 =	vor.u32 v15, v20;
	v20 =	vmul.f32 v24, v2  }
0x179: {  	vm2 =	vge.f32 v23, v1;
	v24 =	vadd.f32 $-1.000000000e+00, v27;
	[tilespmem:s14+$0xE0] =	vst v11;
	v11 =	vadd.f32 $-1.000000000e+00, v22  }
0x17a: {  	v21 =	vmul.f32 v21, v2;
	v23 =	vsel vm2, v28, v23;
	v30 =	vadd.f32 $-1.000000000e+00, v20  }
0x17b: {  	v24 =	vsel vm0, v24, v27;
	vm0 =	vge.f32 v20, v0;
	v23 =	vtrunc.f32 v23  }
0x17c: {  	v29 =	vld [tilespmem:s15+$0x170];
	v11 =	vsel vm1, v11, v22;
	v22 =	vadd.f32 $-1.000000000e+00, v21;
	vm1 =	vge.f32 v25, v0  }
0x17d: {  	v24 =	vtrunc.f32 v24;
	vm2 =	vge.f32 v21, v0;
	v23 =	vcvt.f32.s32 v23;
	v15 =	vld.idx.msk [tilespmem:v15+s2+$0x0], $0xffff  }
0x17e: {  	v31 =	vld [tilespmem:s15+$0x1F0];
	v20 =	vsel vm0, v30, v20;
	v11 =	vtrunc.f32 v11;
	v25 =	vsel vm1, v32, v25  }
0x17f: {  	v21 =	vsel vm2, v22, v21;
	v22 =	vcvt.f32.s32 v24;
	v11 =	vcvt.f32.s32 v11  }
0x180: {  	v13 =	vand.u32 $0x7, v6;
	v20 =	vtrunc.f32 v20;
	v25 =	vtrunc.f32 v25  }
0x181: {  	s17 =	simm.s32 $0x12DA0;
	v23 =	vmul.u32 $0x68, v23;
	v20 =	vcvt.f32.s32 v20;
	v21 =	vtrunc.f32 v21  }
0x182: {  	v25 =	vcvt.f32.s32 v25;
	v27 =	vmul.f32 v29, v3;
	v22 =	vmul.u32 $0x68, v22;
	[tilespmem:s17+$0x80] =	vst v15  }
0x183: {  	v28 =	vmul.f32 v31, v2;
	v21 =	vcvt.f32.s32 v21;
	v56 =	vand.u32 $0xFFFFFFF8, v20;
	v24 =	vld [tilespmem:s16+$0x110]  }
0x184: {  	v11 =	vmul.u32 $0x68, v11;
	v20 =	vand.u32 $0x7, v20;
	v22 =	vadd.s32 v22, v56;
	v55 =	vld [tilespmem:s16+$0x190]  }
0x185: {  	v57 =	vand.u32 $0xFFFFFFF8, v25;
	v58 =	vand.u32 $0xFFFFFFF8, v21;
	v20 =	vor.u32 v20, v22  }
0x186: {  	v25 =	vand.u32 $0x7, v25;
	v21 =	vand.u32 $0x7, v21;
	v23 =	vadd.s32 v23, v58  }
0x187: {  	v29 =	vadd.f32 $-1.000000000e+00, v27;
	vm0 =	vge.f32 v27, v1;
	v21 =	vor.u32 v21, v23  }
0x188: {  	v11 =	vadd.s32 v11, v57;
	v15 =	vadd.f32 $-1.000000000e+00, v28;
	v24 =	vmul.f32 v24, v3  }
0x189: {  	v23 =	vsel vm0, v29, v27;
	vm0 =	vge.f32 v28, v0;
	v30 =	vmul.f32 v55, v2  }
0x18a: {  	v11 =	vor.u32 v25, v11;
	v15 =	vsel vm0, v15, v28;
	v20 =	vld.idx.msk [tilespmem:v20+s2+$0x0], $0xffff;
	v22 =	vadd.f32 $-1.000000000e+00, v24  }
0x18b: {  	v23 =	vtrunc.f32 v23;
	vm1 =	vge.f32 v24, v1;
	v25 =	vadd.f32 $-1.000000000e+00, v30  }
0x18c: {  	v23 =	vcvt.f32.s32 v23;
	v21 =	vld.idx.msk [tilespmem:v21+s2+$0x0], $0xffff;
	v22 =	vsel vm1, v22, v24;
	vm1 =	vge.f32 v30, v0  }
0x18d: {  	v15 =	vtrunc.f32 v15;
	v24 =	vsel vm1, v25, v30;
	v22 =	vtrunc.f32 v22  }
0x18e: {  	v19 =	vmul.u32 $0x68, v19;
	v22 =	vcvt.f32.s32 v22;
	v24 =	vtrunc.f32 v24  }
0x18f: {  	v15 =	vcvt.f32.s32 v15;
	[tilespmem:s17+$0xFFFFFF00] =	vst v20;
	v20 =	vand.u32 $0xFFFFFFF8, v17;
	v25 =	vld.idx.msk [tilespmem:v11+s2+$0x0], $0xffff;
	v24 =	vcvt.f32.s32 v24  }
0x190: {  	v17 =	vand.u32 $0x7, v17;
	v20 =	vadd.s32 v26, v20;
	v11 =	vmul.u32 $0x68, v22  }
0x191: {  	v23 =	vmul.u32 $0x68, v23;
	[tilespmem:s17+$0x0] =	vst v21;
	v12 =	vld [tilespmem:s16+$0xFFFFFE90];
	v17 =	vor.u32 v17, v20;
	v22 =	vand.u32 $0xFFFFFFF8, v24  }
0x192: {  	v21 =	vld [tilespmem:s16+$0x10];
	v24 =	vand.u32 $0x7, v24;
	v11 =	vadd.s32 v11, v22;
	v22 =	vand.u32 $0xFFFFFFF8, v15  }
0x193: {  	v20 =	vld [tilespmem:s16+$0x90];
	v24 =	vor.u32 v24, v11;
	v11 =	vand.u32 $0x7, v15;
	v15 =	vadd.s32 v23, v22  }
0x194: {  	v14 =	vtrunc.f32 v14;
	[tilespmem:s17+$0xFFFFFF80] =	vst v25;
	v22 =	vand.u32 $0xFFFFFFF8, v18;
	v11 =	vor.u32 v11, v15;
	v15 =	vld [tilespmem:s16+$0xFFFFFE10]  }
0x195: {  	v14 =	vcvt.f32.s32 v14;
	v16 =	vtrunc.f32 v16;
	v19 =	vadd.s32 v19, v22;
	v22 =	vld [tilespmem:s16+$0xFFFFFF10]  }
0x196: {  	v6 =	vor.u32 v5, v8;
	v5 =	vor.u32 v13, v9;
	v16 =	vcvt.f32.s32 v16;
	v10 =	vld [tilespmem:s16+$0xFFFFFF90]  }
0x197: {  	v14 =	vmul.u32 $0x68, v14;
	v12 =	vmul.f32 v12, v2;
	v18 =	vand.u32 $0x7, v18  }
0x198: {  	v23 =	vand.u32 $0xFFFFFFF8, v16;
	v16 =	vand.u32 $0x7, v16;
	v18 =	vor.u32 v18, v19;
	v19 =	vld.idx.msk [tilespmem:v24+s2+$0x0], $0xffff  }
0x199: {  	v8 =	vmul.f32 v21, v3;
	v14 =	vadd.s32 v14, v23;
	v15 =	vmul.f32 v15, v3  }
0x19a: {  	v20 =	vmul.f32 v20, v2;
	v14 =	vor.u32 v16, v14;
	v16 =	vmul.f32 v22, v3  }
0x19b: {  	vm2 =	vge.f32 v8, v1;
	v10 =	vmul.f32 v10, v2;
	v9 =	vadd.f32 $-1.000000000e+00, v15  }
0x19c: {  	v22 =	vadd.f32 $-1.000000000e+00, v20;
	vm0 =	vge.f32 v15, v1;
	v13 =	vadd.f32 $-1.000000000e+00, v16  }
0x19d: {  	vm1 =	vge.f32 v16, v1;
	[tilespmem:s17+$0x90] =	vst v19;
	v19 =	vadd.f32 $-1.000000000e+00, v8;
	v9 =	vsel vm0, v9, v15  }
0x19e: {  	v13 =	vsel vm1, v13, v16;
	v16 =	vadd.f32 $-1.000000000e+00, v12;
	vm0 =	vge.f32 v12, v0  }
0x19f: {  	vm1 =	vge.f32 v10, v0;
	v15 =	vld [tilespmem:s16+$0x120];
	v9 =	vtrunc.f32 v9;
	v13 =	vtrunc.f32 v13  }
0x1a0: {  	v21 =	vld [tilespmem:s16+$0x1A0];
	v8 =	vsel vm2, v19, v8;
	v19 =	vadd.f32 $-1.000000000e+00, v10;
	vm2 =	vge.f32 v20, v0  }
0x1a1: {  	v14 =	vld.idx.msk [tilespmem:v14+s2+$0x0], $0xffff;
	v12 =	vsel vm0, v16, v12;
	v9 =	vcvt.f32.s32 v9;
	v13 =	vcvt.f32.s32 v13  }
0x1a2: {  	v16 =	vld.idx.msk [tilespmem:v17+s2+$0x0], $0xffff;
	v8 =	vtrunc.f32 v8;
	v17 =	vsel vm2, v22, v20;
	v12 =	vtrunc.f32 v12  }
0x1a3: {  	v18 =	vld.idx.msk [tilespmem:v18+s2+$0x0], $0xffff;
	v10 =	vsel vm1, v19, v10;
	v8 =	vcvt.f32.s32 v8;
	v17 =	vtrunc.f32 v17  }
0x1a4: {  	v9 =	vmul.u32 $0x68, v9;
	v12 =	vcvt.f32.s32 v12;
	v15 =	vmul.f32 v15, v3  }
0x1a5: {  	v13 =	vmul.u32 $0x68, v13;
	v10 =	vtrunc.f32 v10;
	v19 =	vmul.f32 v21, v2  }
0x1a6: {  	[tilespmem:s14+$0x40] =	vst v14;
	v14 =	vcvt.f32.s32 v17;
	v10 =	vcvt.f32.s32 v10;
	v20 =	vadd.f32 $-1.000000000e+00, v15  }
0x1a7: {  	v8 =	vmul.u32 $0x68, v8;
	vm0 =	vge.f32 v15, v1;
	v21 =	vadd.f32 $-1.000000000e+00, v19  }
0x1a8: {  	[tilespmem:s14+$0xFFFFFFC0] =	vst v18;
	v23 =	vand.u32 $0xFFFFFFF8, v10;
	v15 =	vsel vm0, v20, v15;
	vm0 =	vge.f32 v19, v0  }
0x1a9: {  	v18 =	vld [tilespmem:s15+$0xFFFFFF50];
	v20 =	vand.u32 $0xFFFFFFF8, v12;
	v12 =	vand.u32 $0x7, v12;
	v19 =	vsel vm0, v21, v19  }
0x1aa: {  	v15 =	vtrunc.f32 v15;
	v9 =	vadd.s32 v9, v20;
	v20 =	vand.u32 $0xFFFFFFF8, v14  }
0x1ab: {  	v17 =	vld [tilespmem:s15+$0x50];
	[tilespmem:s14+$0xFFFFFF40] =	vst v16;
	v15 =	vcvt.f32.s32 v15;
	v16 =	vtrunc.f32 v19;
	v8 =	vadd.s32 v8, v20  }
0x1ac: {  	v22 =	vld [tilespmem:s15+$0xFFFFFED0];
	v9 =	vor.u32 v12, v9;
	v12 =	vand.u32 $0x7, v14;
	v16 =	vcvt.f32.s32 v16  }
0x1ad: {  	v10 =	vand.u32 $0x7, v10;
	v19 =	vld [tilespmem:s15+$0xFFFFFE50];
	v8 =	vor.u32 v12, v8;
	v15 =	vmul.u32 $0x68, v15  }
0x1ae: {  	v13 =	vadd.s32 v13, v23;
	v14 =	vmul.f32 v18, v3;
	v21 =	vand.u32 $0xFFFFFFF8, v16  }
0x1af: {  	v10 =	vor.u32 v10, v13;
	v16 =	vand.u32 $0x7, v16;
	v15 =	vadd.s32 v15, v21;
	v21 =	vld [tilespmem:s15+$0xFFFFFFD0]  }
0x1b0: {  	v20 =	vadd.f32 $-1.000000000e+00, v14;
	v15 =	vor.u32 v16, v15;
	v16 =	vld [tilespmem:s15+$0xD0]  }
0x1b1: {  	v12 =	vmul.f32 v17, v3;
	vm1 =	vge.f32 v14, v1;
	v9 =	vld.idx.msk [tilespmem:v9+s2+$0x0], $0xffff  }
0x1b2: {  	v17 =	vmul.f32 v22, v2;
	v14 =	vsel vm1, v20, v14;
	v13 =	vmul.f32 v19, v3;
	v8 =	vld.idx.msk [tilespmem:v8+s2+$0x0], $0xffff  }
0x1b3: {  	v14 =	vtrunc.f32 v14  }
0x1b4: {  	v22 =	vadd.f32 $-1.000000000e+00, v17;
	v10 =	vld.idx.msk [tilespmem:v10+s2+$0x0], $0xffff;
	v14 =	vcvt.f32.s32 v14;
	v18 =	vadd.f32 $-1.000000000e+00, v13  }
0x1b5: {  	vm2 =	vge.f32 v12, v1;
	vm0 =	vge.f32 v13, v1;
	v19 =	vmul.f32 v21, v2  }
0x1b6: {  	v14 =	vmul.u32 $0x68, v14;
	v21 =	vadd.f32 $-1.000000000e+00, v12;
	v13 =	vsel vm0, v18, v13;
	v15 =	vld.idx.msk [tilespmem:v15+s2+$0x0], $0xffff;
	[tilespmem:s17+$0xFFFFFF10] =	vst v9  }
0x1b7: {  	v16 =	vmul.f32 v16, v2;
	v13 =	vtrunc.f32 v13;
	v23 =	vadd.f32 $-1.000000000e+00, v19;
	[tilespmem:s17+$0x10] =	vst v8;
	v20 =	vld [tilespmem:s16+$0xFFFFFEA0]  }
0x1b8: {  	v12 =	vsel vm2, v21, v12;
	vm1 =	vge.f32 v19, v0;
	v13 =	vcvt.f32.s32 v13;
	v26 =	vld [tilespmem:s16+$0xA0]  }
0x1b9: {  	[tilespmem:s17+$0xFFFFFF90] =	vst v10;
	v24 =	vadd.f32 $-1.000000000e+00, v16;
	v12 =	vtrunc.f32 v12;
	v18 =	vsel vm1, v23, v19;
	v19 =	vld [tilespmem:s16+$0xFFFFFE20]  }
0x1ba: {  	vm0 =	vge.f32 v17, v0;
	vm2 =	vge.f32 v16, v0;
	v12 =	vcvt.f32.s32 v12;
	v23 =	vld [tilespmem:s16+$0xFFFFFFA0]  }
0x1bb: {  	v8 =	vmul.u32 $0x68, v13;
	v16 =	vsel vm2, v24, v16;
	v13 =	vtrunc.f32 v18;
	v18 =	vld [tilespmem:s16+$0x20];
	[tilespmem:s17+$0xA0] =	vst v15  }
0x1bc: {  	v15 =	vsel vm0, v22, v17;
	v16 =	vtrunc.f32 v16;
	v13 =	vcvt.f32.s32 v13;
	v17 =	vld [tilespmem:s16+$0x130]  }
0x1bd: {  	v12 =	vmul.u32 $0x68, v12;
	v9 =	vld [tilespmem:s16+$0x1B0];
	v10 =	vtrunc.f32 v15;
	v16 =	vcvt.f32.s32 v16  }
0x1be: {  	v20 =	vmul.f32 v20, v2;
	v10 =	vcvt.f32.s32 v10;
	v22 =	vand.u32 $0xFFFFFFF8, v13  }
0x1bf: {  	v26 =	vmul.f32 v26, v2;
	v13 =	vand.u32 $0x7, v13;
	v19 =	vmul.f32 v19, v3  }
0x1c0: {  	v15 =	vld [tilespmem:s16+$0xFFFFFF20];
	v25 =	vand.u32 $0xFFFFFFF8, v16;
	v23 =	vmul.f32 v23, v2;
	v29 =	vadd.f32 $-1.000000000e+00, v20  }
0x1c1: {  	v14 =	vadd.s32 v14, v22;
	v21 =	vand.u32 $0xFFFFFFF8, v10;
	v17 =	vmul.f32 v17, v3  }
0x1c2: {  	v18 =	vmul.f32 v18, v3;
	v10 =	vand.u32 $0x7, v10;
	v9 =	vmul.f32 v9, v2  }
0x1c3: {  	v12 =	vadd.s32 v12, v25;
	v13 =	vor.u32 v13, v14;
	v24 =	vadd.f32 $-1.000000000e+00, v17  }
0x1c4: {  	v60 =	vadd.f32 $-1.000000000e+00, v23;
	vm0 =	vge.f32 v17, v1;
	v27 =	vadd.f32 $-1.000000000e+00, v9  }
0x1c5: {  	v15 =	vmul.f32 v15, v3;
	v17 =	vsel vm0, v24, v17;
	vm0 =	vge.f32 v9, v0  }
0x1c6: {  	v28 =	vadd.f32 $-1.000000000e+00, v18;
	v9 =	vsel vm0, v27, v9;
	v17 =	vtrunc.f32 v17  }
0x1c7: {  	vm2 =	vge.f32 v18, v1;
	v17 =	vcvt.f32.s32 v17;
	v9 =	vtrunc.f32 v9  }
0x1c8: {  	vm1 =	vge.f32 v15, v1;
	v18 =	vsel vm2, v28, v18;
	v9 =	vcvt.f32.s32 v9  }
0x1c9: {  	vm2 =	vge.f32 v26, v0;
	v18 =	vtrunc.f32 v18;
	v17 =	vmul.u32 $0x68, v17  }
0x1ca: {  	v24 =	vadd.f32 $-1.000000000e+00, v19;
	v27 =	vadd.f32 $-1.000000000e+00, v15;
	v59 =	vand.u32 $0xFFFFFFF8, v9  }
0x1cb: {  	v18 =	vcvt.f32.s32 v18;
	v9 =	vand.u32 $0x7, v9;
	v17 =	vadd.s32 v17, v59  }
0x1cc: {  	v7 =	vld.idx.msk [tilespmem:v7+s2+$0x0], $0xffff;
	vm0 =	vge.f32 v19, v1;
	v15 =	vsel vm1, v27, v15;
	v9 =	vor.u32 v9, v17  }
0x1cd: {  	v6 =	vld.idx.msk [tilespmem:v6+s2+$0x0], $0xffff;
	vm1 =	vge.f32 v23, v0;
	v15 =	vtrunc.f32 v15;
	v17 =	vsel vm0, v24, v19  }
0x1ce: {  	v5 =	vld.idx.msk [tilespmem:v5+s2+$0x0], $0xffff;
	v19 =	vadd.f32 $-1.000000000e+00, v26;
	vm0 =	vge.f32 v20, v0;
	v17 =	vtrunc.f32 v17  }
0x1cf: {  	v23 =	vsel vm1, v60, v23;
	v20 =	vsel vm0, v29, v20;
	v17 =	vcvt.f32.s32 v17  }
0x1d0: {  	v15 =	vcvt.f32.s32 v15;
	v19 =	vsel vm2, v19, v26;
	v20 =	vtrunc.f32 v20  }
0x1d1: {  	[tilespmem:s13+$0xFFFFFF60] =	vst v7;
	v20 =	vcvt.f32.s32 v20;
	v7 =	vmul.u32 $0x68, v17;
	v17 =	vtrunc.f32 v23;
	v9 =	vld.idx.msk [tilespmem:v9+s2+$0x0], $0xffff  }
0x1d2: {  	[tilespmem:s13+$0xFFFFFFE0] =	vst v6;
	v6 =	vld [tilespmem:s18+$0xFFFFFE70];
	v8 =	vadd.s32 v8, v21;
	v19 =	vtrunc.f32 v19;
	v17 =	vcvt.f32.s32 v17  }
0x1d3: {  	[tilespmem:s13+$0x60] =	vst v5;
	v21 =	vld [tilespmem:s18+$0xFFFFFF70];
	v15 =	vmul.u32 $0x68, v15;
	v5 =	vcvt.f32.s32 v19;
	v22 =	vand.u32 $0xFFFFFFF8, v20  }
0x1d4: {  	v13 =	vld.idx.msk [tilespmem:v13+s2+$0x0], $0xffff;
	v20 =	vand.u32 $0x7, v20;
	v7 =	vadd.s32 v7, v22;
	v23 =	vand.u32 $0xFFFFFFF8, v17  }
0x1d5: {  	v19 =	vld [tilespmem:s18+$0x70];
	v7 =	vor.u32 v20, v7;
	v20 =	vor.u32 v10, v8;
	v8 =	vand.u32 $0x7, v16  }
0x1d6: {  	v18 =	vmul.u32 $0x68, v18;
	v12 =	vor.u32 v8, v12;
	[tilespmem:s17+$0xB0] =	vst v9;
	v9 =	vadd.s32 v15, v23;
	v23 =	vld [tilespmem:s18+$0xFFFFFEF0]  }
0x1d7: {  	v15 =	vand.u32 $0xFFFFFFF8, v5;
	v22 =	vld [tilespmem:s16+$0x140]  }
0x1d8: {  	v17 =	vand.u32 $0x7, v17;
	v15 =	vadd.s32 v18, v15;
	v18 =	vld [tilespmem:s16+$0x1C0]  }
0x1d9: {  	v5 =	vand.u32 $0x7, v5;
	v9 =	vor.u32 v17, v9;
	v17 =	vld [tilespmem:s18+$0xF0]  }
0x1da: {  	v5 =	vor.u32 v5, v15;
	v15 =	vld [tilespmem:s18+$0xFFFFFFF0]  }
0x1db: {  	v6 =	vmul.f32 v6, v3;
	v10 =	vmul.f32 v21, v3;
	v12 =	vld.idx.msk [tilespmem:v12+s2+$0x0], $0xffff  }
0x1dc: {  	v8 =	vmul.f32 v19, v3  }
0x1dd: {  	v19 =	vadd.f32 $-1.000000000e+00, v6;
	vm1 =	vge.f32 v10, v1;
	v14 =	vmul.f32 v22, v3  }
0x1de: {  	vm2 =	vge.f32 v8, v1;
	v7 =	vld.idx.msk [tilespmem:v7+s2+$0x0], $0xffff;
	v16 =	vmul.f32 v18, v2;
	v18 =	vmul.f32 v23, v2  }
0x1df: {  	[tilespmem:s14+$0xFFFFFFD0] =	vst v13;
	v9 =	vld.idx.msk [tilespmem:v9+s2+$0x0], $0xffff;
	v17 =	vmul.f32 v17, v2;
	v15 =	vmul.f32 v15, v2;
	v21 =	vadd.f32 $-1.000000000e+00, v14  }
0x1e0: {  	vm0 =	vge.f32 v14, v1;
	v22 =	vadd.f32 $-1.000000000e+00, v16;
	v23 =	vadd.f32 $-1.000000000e+00, v18;
	[tilespmem:s14+$0x50] =	vst v12;
	v12 =	vld [tilespmem:s15+$0xFFFFFF60]  }
0x1e1: {  	v5 =	vld.idx.msk [tilespmem:v5+s2+$0x0], $0xffff;
	v14 =	vsel vm0, v21, v14;
	vm0 =	vge.f32 v16, v0;
	v21 =	vadd.f32 $-1.000000000e+00, v10  }
0x1e2: {  	v16 =	vsel vm0, v22, v16;
	v14 =	vtrunc.f32 v14;
	v22 =	vadd.f32 $-1.000000000e+00, v8  }
0x1e3: {  	[tilespmem:s17+$0xFFFFFF20] =	vst v7;
	vm0 =	vge.f32 v6, v1;
	v14 =	vcvt.f32.s32 v14;
	v16 =	vtrunc.f32 v16  }
0x1e4: {  	v24 =	vld [tilespmem:s16+$0xFFFFFE30];
	[tilespmem:s17+$0xFFFFFFA0] =	vst v9;
	v6 =	vsel vm0, v19, v6;
	vm0 =	vge.f32 v17, v0;
	v7 =	vcvt.f32.s32 v16  }
0x1e5: {  	v25 =	vld [tilespmem:s16+$0xFFFFFF30];
	v16 =	vadd.f32 $-1.000000000e+00, v15;
	v12 =	vmul.f32 v12, v3;
	v9 =	vmul.u32 $0x68, v14  }
0x1e6: {  	[tilespmem:s17+$0x20] =	vst v5;
	v27 =	vld [tilespmem:s16+$0xFFFFFFB0];
	v14 =	vadd.f32 $-1.000000000e+00, v17;
	v5 =	vand.u32 $0xFFFFFFF8, v7;
	v7 =	vand.u32 $0x7, v7  }
0x1e7: {  	v19 =	vld [tilespmem:s16+$0x30];
	v5 =	vadd.s32 v9, v5;
	v9 =	vsel vm1, v21, v10;
	v21 =	vsel vm2, v22, v8  }
0x1e8: {  	v22 =	vld [tilespmem:s16+$0xFFFFFEB0];
	vm1 =	vge.f32 v18, v0;
	vm2 =	vge.f32 v15, v0;
	v10 =	vtrunc.f32 v6  }
0x1e9: {  	v26 =	vor.u32 v7, v5;
	v5 =	vtrunc.f32 v9;
	v9 =	vmul.f32 v24, v3  }
0x1ea: {  	v24 =	vld [tilespmem:s16+$0xB0];
	v8 =	vsel vm1, v23, v18;
	v6 =	vtrunc.f32 v21;
	v18 =	vmul.f32 v25, v3  }
0x1eb: {  	v7 =	vsel vm2, v16, v15;
	v23 =	vmul.f32 v27, v2;
	v15 =	vadd.f32 $-1.000000000e+00, v9  }
0x1ec: {  	v19 =	vmul.f32 v19, v3;
	vm1 =	vge.f32 v9, v1;
	v21 =	vadd.f32 $-1.000000000e+00, v18  }
0x1ed: {  	v16 =	vld.idx.msk [tilespmem:v20+s2+$0x0], $0xffff;
	vm2 =	vge.f32 v18, v1;
	v20 =	vmul.f32 v22, v2;
	v9 =	vsel vm1, v15, v9  }
0x1ee: {  	vm1 =	vge.f32 v19, v1;
	v15 =	vadd.f32 $-1.000000000e+00, v19;
	v18 =	vsel vm2, v21, v18;
	v22 =	vld.idx.msk [tilespmem:v26+s2+$0x0], $0xffff  }
0x1ef: {  	v21 =	vadd.f32 $-1.000000000e+00, v23;
	vm2 =	vge.f32 v23, v0;
	v24 =	vmul.f32 v24, v2  }
0x1f0: {  	v9 =	vtrunc.f32 v9;
	v18 =	vtrunc.f32 v18;
	v25 =	vadd.f32 $-1.000000000e+00, v20  }
0x1f1: {  	v15 =	vsel vm1, v15, v19;
	vm1 =	vge.f32 v20, v0;
	v21 =	vsel vm2, v21, v23  }
0x1f2: {  	[tilespmem:s14+$0xFFFFFF50] =	vst v16;
	v18 =	vcvt.f32.s32 v18;
	v16 =	vadd.f32 $-1.000000000e+00, v24;
	v15 =	vtrunc.f32 v15  }
0x1f3: {  	v20 =	vsel vm1, v25, v20;
	vm1 =	vge.f32 v24, v0;
	v15 =	vcvt.f32.s32 v15;
	[tilespmem:s17+$0xC0] =	vst v22  }
0x1f4: {  	v16 =	vsel vm1, v16, v24;
	v20 =	vtrunc.f32 v20;
	v22 =	vcvt.f32.s32 v9;
	v23 =	vld [tilespmem:s16+$0x150]  }
0x1f5: {  	v9 =	vsel vm0, v14, v17;
	v14 =	vtrunc.f32 v21;
	v16 =	vtrunc.f32 v16;
	v24 =	vld [tilespmem:s16+$0x1D0]  }
0x1f6: {  	v18 =	vmul.u32 $0x68, v18;
	v20 =	vcvt.f32.s32 v20;
	v14 =	vcvt.f32.s32 v14  }
0x1f7: {  	v15 =	vmul.u32 $0x68, v15;
	v16 =	vcvt.f32.s32 v16;
	v17 =	vmul.u32 $0x68, v22  }
0x1f8: {  	v19 =	vld [tilespmem:s15+$0xFFFFFE60];
	v21 =	vand.u32 $0xFFFFFFF8, v20;
	v13 =	vand.u32 $0xFFFFFFF8, v14;
	v14 =	vand.u32 $0x7, v14  }
0x1f9: {  	v17 =	vadd.s32 v17, v21;
	v13 =	vadd.s32 v18, v13;
	v22 =	vmul.f32 v23, v3  }
0x1fa: {  	v13 =	vor.u32 v14, v13;
	v21 =	vmul.f32 v24, v2;
	v23 =	vand.u32 $0xFFFFFFF8, v16  }
0x1fb: {  	v25 =	vld [tilespmem:s15+$0xFFFFFEE0];
	v16 =	vand.u32 $0x7, v16;
	v15 =	vadd.s32 v15, v23;
	v18 =	vadd.f32 $-1.000000000e+00, v22  }
0x1fc: {  	v24 =	vld [tilespmem:s15+$0x60];
	vm0 =	vge.f32 v22, v1;
	v23 =	vadd.f32 $-1.000000000e+00, v21;
	v15 =	vor.u32 v16, v15  }
0x1fd: {  	v19 =	vmul.f32 v19, v3;
	v18 =	vsel vm0, v18, v22;
	vm0 =	vge.f32 v21, v0;
	v22 =	vld [tilespmem:s15+$0xFFFFFFE0]  }
0x1fe: {  	v20 =	vand.u32 $0x7, v20;
	v21 =	vsel vm0, v23, v21;
	v18 =	vtrunc.f32 v18;
	v23 =	vld [tilespmem:s15+$0xE0]  }
0x1ff: {  	v17 =	vor.u32 v20, v17;
	v18 =	vcvt.f32.s32 v18;
	v21 =	vtrunc.f32 v21  }
0x200: {  	v10 =	vcvt.f32.s32 v10;
	vm1 =	vge.f32 v12, v1;
	v13 =	vld.idx.msk [tilespmem:v13+s2+$0x0], $0xffff;
	v14 =	vcvt.f32.s32 v21  }
0x201: {  	vm0 =	vge.f32 v19, v1;
	v21 =	vmul.f32 v25, v2;
	v15 =	vld.idx.msk [tilespmem:v15+s2+$0x0], $0xffff;
	v16 =	vmul.u32 $0x68, v18  }
0x202: {  	v18 =	vmul.f32 v24, v3;
	v20 =	vand.u32 $0xFFFFFFF8, v14;
	v22 =	vmul.f32 v22, v2  }
0x203: {  	v14 =	vand.u32 $0x7, v14;
	v16 =	vadd.s32 v16, v20;
	v20 =	vmul.f32 v23, v2  }
0x204: {  	v17 =	vld.idx.msk [tilespmem:v17+s2+$0x0], $0xffff;
	v23 =	vadd.f32 $-1.000000000e+00, v12;
	v25 =	vadd.f32 $-1.000000000e+00, v18;
	v14 =	vor.u32 v14, v16  }
0x205: {  	v24 =	vadd.f32 $-1.000000000e+00, v21;
	[tilespmem:s17+$0xFFFFFFB0] =	vst v13;
	vm2 =	vge.f32 v18, v1;
	v16 =	vadd.f32 $-1.000000000e+00, v19  }
0x206: {  	v26 =	vadd.f32 $-1.000000000e+00, v22;
	v12 =	vsel vm1, v23, v12;
	v18 =	vsel vm2, v25, v18;
	[tilespmem:s17+$0x30] =	vst v15;
	v25 =	vld [tilespmem:s16+$0xFFFFFFC0]  }
0x207: {  	vm1 =	vge.f32 v22, v0;
	vm2 =	vge.f32 v20, v0;
	v16 =	vsel vm0, v16, v19;
	v23 =	vld [tilespmem:s16+$0x40]  }
0x208: {  	v19 =	vadd.f32 $-1.000000000e+00, v20;
	vm0 =	vge.f32 v21, v0;
	v12 =	vtrunc.f32 v12;
	v29 =	vld [tilespmem:s16+$0xC0]  }
0x209: {  	[tilespmem:s17+$0xFFFFFF30] =	vst v17;
	v18 =	vtrunc.f32 v18;
	v16 =	vtrunc.f32 v16;
	v17 =	vsel vm0, v24, v21;
	v14 =	vld.idx.msk [tilespmem:v14+s2+$0x0], $0xffff  }
0x20a: {  	v21 =	vsel vm1, v26, v22;
	v22 =	vld [tilespmem:s16+$0xFFFFFE40];
	v12 =	vcvt.f32.s32 v12;
	v18 =	vcvt.f32.s32 v18  }
0x20b: {  	v13 =	vcvt.f32.s32 v16;
	v16 =	vsel vm2, v19, v20;
	v20 =	vld [tilespmem:s16+$0xFFFFFF40];
	v15 =	vtrunc.f32 v17  }
0x20c: {  	v19 =	vtrunc.f32 v16;
	v16 =	vcvt.f32.s32 v15;
	v17 =	vmul.u32 $0x68, v12  }
0x20d: {  	v62 =	vld.idx.msk [tilespmem:v4+s2+$0x0], $0xffff;
	v24 =	vmul.u32 $0x68, v13;
	v13 =	vtrunc.f32 v21;
	v12 =	vcvt.f32.s32 v19  }
0x20e: {  	v21 =	vld [tilespmem:s16+$0xFFFFFEC0];
	v15 =	vcvt.f32.s32 v13;
	v23 =	vmul.f32 v23, v3;
	[tilespmem:s17+$0xD0] =	vst v14  }
0x20f: {  	v13 =	vmul.u32 $0x68, v18;
	v4 =	vmul.f32 v29, v2;
	v22 =	vmul.f32 v22, v3;
	v26 =	vld [tilespmem:s16+$0x160]  }
0x210: {  	v19 =	vand.u32 $0xFFFFFFF8, v15;
	v27 =	vmul.f32 v20, v3;
	v20 =	vmul.f32 v25, v2;
	v28 =	vld [tilespmem:s16+$0x1E0]  }
0x211: {  	vm2 =	vge.f32 v23, v1;
	v25 =	vadd.f32 $-1.000000000e+00, v23;
	v14 =	vand.u32 $0xFFFFFFF8, v16  }
0x212: {  	v29 =	vld.idx.msk [tilespmem:v11+s2+$0x0], $0xffff;
	v11 =	vadd.f32 $-1.000000000e+00, v4;
	vm0 =	vge.f32 v22, v1;
	v18 =	vadd.s32 v24, v14  }
0x213: {  	v14 =	vand.u32 $0xFFFFFFF8, v12;
	v24 =	vadd.f32 $-1.000000000e+00, v22;
	v61 =	vmul.f32 v21, v2  }
0x214: {  	vm1 =	vge.f32 v27, v1;
	v25 =	vsel vm2, v25, v23;
	v26 =	vmul.f32 v26, v3  }
0x215: {  	v21 =	vadd.f32 $-1.000000000e+00, v27;
	v25 =	vtrunc.f32 v25;
	v28 =	vmul.f32 v28, v2  }
0x216: {  	v24 =	vsel vm0, v24, v22;
	v22 =	vadd.f32 $-1.000000000e+00, v61;
	v23 =	vadd.f32 $-1.000000000e+00, v26  }
0x217: {  	v27 =	vsel vm1, v21, v27;
	vm0 =	vge.f32 v26, v1;
	v63 =	vadd.f32 $-1.000000000e+00, v28  }
0x218: {  	v21 =	vadd.f32 $-1.000000000e+00, v20;
	vm1 =	vge.f32 v28, v0;
	v23 =	vsel vm0, v23, v26  }
0x219: {  	v24 =	vtrunc.f32 v24;
	v26 =	vsel vm1, v63, v28;
	v23 =	vtrunc.f32 v23  }
0x21a: {  	vm2 =	vge.f32 v61, v0;
	v28 =	vcvt.f32.s32 v23;
	v23 =	vtrunc.f32 v26  }
0x21b: {  	[tilespmem:s13+$0xF0] =	vst v62;
	v22 =	vsel vm2, v22, v61;
	vm0 =	vge.f32 v20, v0;
	v23 =	vcvt.f32.s32 v23  }
0x21c: {  	s19 =	simm.s32 $0x8;
	s20 =	simm.s32 $0x36A0;
	s18 =	simm.s32 $0x12DA0;
	[tilespmem:s14+$0xF0] =	vst v29;
	vm1 =	vge.f32 v4, v0;
	v26 =	vtrunc.f32 v27;
	v27 =	vmul.u32 $0x68, v28  }
.LBB2_2:
0x21d: {  	v28 =	vld [tilespmem:s20+$0x100];
	s19 =	sadd.s32 $0x4, s19;
	v20 =	vsel vm0, v21, v20;
	v11 =	vsel vm1, v11, v4;
	v4 =	vand.u32 $0xFFFFFFF8, v23  }
0x21e: {  	v21 =	vcvt.f32.s32 v24;
	v23 =	vand.u32 $0x7, v23;
	v29 =	vld [tilespmem:s20+$0x180];
	p0 =	slt.u32 s19, $0xFC;
	v4 =	vadd.s32 v27, v4  }
0x21f: {  	v24 =	vcvt.f32.s32 v26;
	v25 =	vcvt.f32.s32 v25;
	v27 =	vld [tilespmem:s20+$0xFFFFFF00];
	v26 =	vor.u32 v23, v4  }
0x220: {  	v20 =	vtrunc.f32 v20;
	v4 =	vtrunc.f32 v22;
	v21 =	vmul.u32 $0x68, v21;
	v30 =	vld [tilespmem:s20+$0x0]  }
0x221: {  	v32 =	vtrunc.f32 v11;
	v22 =	vmul.u32 $0x68, v24;
	v4 =	vcvt.f32.s32 v4;
	v31 =	vld [tilespmem:s20+$0xFFFFFE00]  }
0x222: {  	v11 =	vcvt.f32.s32 v20;
	v23 =	vmul.u32 $0x68, v25;
	v33 =	vld [tilespmem:s20+$0xFFFFFE80];
	v28 =	vmul.f32 v28, v3  }
0x223: {  	v20 =	vcvt.f32.s32 v32;
	v24 =	vand.u32 $0xFFFFFFF8, v4;
	v34 =	vld [tilespmem:s20+$0xFFFFFF80];
	v29 =	vmul.f32 v29, v2  }
0x224: {  	v25 =	vand.u32 $0xFFFFFFF8, v11;
	v27 =	vmul.f32 v27, v3;
	v32 =	vadd.f32 $-1.000000000e+00, v28;
	v26 =	vld.idx.msk [tilespmem:v26+s2+$0x0], $0xffff  }
0x225: {  	vm0 =	vge.f32 v28, v1;
	v35 =	vld [tilespmem:s20+$0x80];
	v30 =	vmul.f32 v30, v3;
	v36 =	vadd.f32 $-1.000000000e+00, v29  }
0x226: {  	v31 =	vmul.f32 v31, v3;
	v28 =	vsel vm0, v32, v28;
	vm0 =	vge.f32 v29, v0  }
0x227: {  	v32 =	vmul.f32 v33, v2;
	v29 =	vsel vm0, v36, v29;
	v28 =	vtrunc.f32 v28  }
0x228: {  	v33 =	vadd.f32 $-1.000000000e+00, v31;
	v28 =	vcvt.f32.s32 v28;
	v29 =	vtrunc.f32 v29  }
0x229: {  	v36 =	vadd.f32 $-1.000000000e+00, v27;
	v34 =	vmul.f32 v34, v2;
	v29 =	vcvt.f32.s32 v29  }
0x22a: {  	v37 =	vadd.f32 $-1.000000000e+00, v30;
	v35 =	vmul.f32 v35, v2;
	v28 =	vmul.u32 $0x68, v28;
	[tilespmem:s17+$0xE0] =	vst v26  }
0x22b: {  	vm0 =	vge.f32 v31, v1;
	v26 =	vadd.f32 $-1.000000000e+00, v32;
	v38 =	vand.u32 $0xFFFFFFF8, v29;
	v39 =	vld [tilespmem:s16+$0x170]  }
0x22c: {  	vm1 =	vge.f32 v27, v1;
	v29 =	vand.u32 $0x7, v29;
	v28 =	vadd.s32 v28, v38;
	v38 =	vld [tilespmem:s16+$0x1F0]  }
0x22d: {  	vm2 =	vge.f32 v30, v1;
	v40 =	vadd.f32 $-1.000000000e+00, v34;
	v28 =	vor.u32 v29, v28  }
0x22e: {  	v27 =	vsel vm1, v36, v27;
	v29 =	vsel vm0, v33, v31;
	v31 =	vadd.f32 $-1.000000000e+00, v35  }
0x22f: {  	v30 =	vsel vm2, v37, v30;
	vm1 =	vge.f32 v34, v0;
	vm0 =	vge.f32 v32, v0  }
0x230: {  	vm2 =	vge.f32 v35, v0;
	v29 =	vtrunc.f32 v29;
	v33 =	vmul.f32 v39, v3  }
0x231: {  	v27 =	vtrunc.f32 v27;
	v26 =	vsel vm0, v26, v32;
	v32 =	vmul.f32 v38, v2  }
0x232: {  	v30 =	vtrunc.f32 v30;
	v34 =	vsel vm1, v40, v34;
	v28 =	vld.idx.msk [tilespmem:v28+s2+$0x0], $0xffff;
	v36 =	vadd.f32 $-1.000000000e+00, v33  }
0x233: {  	v31 =	vsel vm2, v31, v35;
	vm0 =	vge.f32 v33, v1;
	v35 =	vadd.f32 $-1.000000000e+00, v32  }
0x234: {  	v29 =	vcvt.f32.s32 v29;
	v33 =	vsel vm0, v36, v33;
	vm0 =	vge.f32 v32, v0  }
0x235: {  	v27 =	vcvt.f32.s32 v27;
	v32 =	vsel vm0, v35, v32;
	v33 =	vtrunc.f32 v33  }
0x236: {  	v29 =	vmul.u32 $0x68, v29;
	v33 =	vcvt.f32.s32 v33;
	v32 =	vtrunc.f32 v32  }
0x237: {  	s17 =	sadd.s32 $0x200, s17;
	v30 =	vcvt.f32.s32 v30;
	v27 =	vmul.u32 $0x68, v27;
	v32 =	vcvt.f32.s32 v32  }
0x238: {  	v34 =	vtrunc.f32 v34;
	v26 =	vtrunc.f32 v26;
	[tilespmem:s17+$0x80] =	vst v28;
	v28 =	vmul.u32 $0x68, v33  }
0x239: {  	v26 =	vcvt.f32.s32 v26;
	v31 =	vtrunc.f32 v31;
	v33 =	vld [tilespmem:s20+$0x110];
	v35 =	vand.u32 $0xFFFFFFF8, v32  }
0x23a: {  	v34 =	vcvt.f32.s32 v34;
	v32 =	vand.u32 $0x7, v32;
	v36 =	vld [tilespmem:s20+$0x190];
	v28 =	vadd.s32 v28, v35  }
0x23b: {  	v30 =	vmul.u32 $0x68, v30;
	v31 =	vcvt.f32.s32 v31;
	v28 =	vor.u32 v32, v28  }
0x23c: {  	v35 =	vand.u32 $0xFFFFFFF8, v34;
	v32 =	vand.u32 $0xFFFFFFF8, v26;
	v26 =	vand.u32 $0x7, v26  }
0x23d: {  	v27 =	vadd.s32 v27, v35;
	v29 =	vadd.s32 v29, v32;
	v32 =	vand.u32 $0xFFFFFFF8, v31  }
0x23e: {  	v34 =	vand.u32 $0x7, v34;
	v30 =	vadd.s32 v30, v32;
	v32 =	vmul.f32 v33, v3  }
0x23f: {  	v26 =	vor.u32 v26, v29;
	v29 =	vand.u32 $0x7, v31;
	v31 =	vmul.f32 v36, v2  }
0x240: {  	v27 =	vor.u32 v34, v27;
	v29 =	vor.u32 v29, v30;
	v30 =	vadd.f32 $-1.000000000e+00, v32;
	v28 =	vld.idx.msk [tilespmem:v28+s2+$0x0], $0xffff  }
0x241: {  	v34 =	vand.u32 $0xFFFFFFF8, v20;
	vm0 =	vge.f32 v32, v1;
	v33 =	vadd.f32 $-1.000000000e+00, v31  }
0x242: {  	v21 =	vadd.s32 v21, v24;
	v30 =	vsel vm0, v30, v32;
	vm0 =	vge.f32 v31, v0  }
0x243: {  	v22 =	vadd.s32 v22, v25;
	v24 =	vsel vm0, v33, v31;
	v30 =	vtrunc.f32 v30  }
0x244: {  	v23 =	vadd.s32 v23, v34;
	v25 =	vld.idx.msk [tilespmem:v26+s2+$0x0], $0xffff;
	v26 =	vcvt.f32.s32 v30;
	v24 =	vtrunc.f32 v24  }
0x245: {  	v11 =	vand.u32 $0x7, v11;
	v4 =	vand.u32 $0x7, v4;
	v27 =	vld.idx.msk [tilespmem:v27+s2+$0x0], $0xffff;
	v24 =	vcvt.f32.s32 v24  }
0x246: {  	v4 =	vor.u32 v4, v21;
	v20 =	vand.u32 $0x7, v20;
	v29 =	vld.idx.msk [tilespmem:v29+s2+$0x0], $0xffff;
	v26 =	vmul.u32 $0x68, v26;
	[tilespmem:s18+$0xF0] =	vst v28  }
0x247: {  	v22 =	vor.u32 v11, v22;
	v20 =	vor.u32 v20, v23;
	v21 =	vand.u32 $0xFFFFFFF8, v24  }
0x248: {  	v17 =	vadd.s32 v17, v19;
	v11 =	vand.u32 $0x7, v24;
	v21 =	vadd.s32 v26, v21  }
0x249: {  	v16 =	vand.u32 $0x7, v16;
	v13 =	vadd.s32 v13, v14;
	v11 =	vor.u32 v11, v21  }
0x24a: {  	v15 =	vand.u32 $0x7, v15;
	v12 =	vand.u32 $0x7, v12;
	v14 =	vor.u32 v16, v18;
	[tilespmem:s17+$0xFFFFFF00] =	vst v25  }
0x24b: {  	v5 =	vcvt.f32.s32 v5;
	v17 =	vor.u32 v15, v17;
	v13 =	vor.u32 v12, v13;
	v16 =	vld [tilespmem:s20+$0xFFFFFE10];
	[tilespmem:s17+$0xFFFFFF80] =	vst v27  }
0x24c: {  	v8 =	vtrunc.f32 v8;
	v10 =	vmul.u32 $0x68, v10;
	v6 =	vcvt.f32.s32 v6;
	v18 =	vld [tilespmem:s20+$0xFFFFFF10];
	[tilespmem:s17+$0x0] =	vst v29  }
0x24d: {  	v7 =	vtrunc.f32 v7;
	v21 =	vmul.u32 $0x68, v5;
	v5 =	vtrunc.f32 v9;
	v19 =	vld [tilespmem:s20+$0x10]  }
0x24e: {  	v15 =	vcvt.f32.s32 v8;
	v12 =	vcvt.f32.s32 v7;
	v6 =	vmul.u32 $0x68, v6;
	v9 =	vld.idx.msk [tilespmem:v11+s2+$0x0], $0xffff  }
0x24f: {  	v11 =	vcvt.f32.s32 v5;
	v7 =	vld [tilespmem:s20+$0xFFFFFE90]  }
0x250: {  	v23 =	vand.u32 $0xFFFFFFF8, v12;
	v5 =	vand.u32 $0xFFFFFFF8, v15;
	v8 =	vmul.f32 v16, v3;
	v16 =	vld [tilespmem:s20+$0xFFFFFF90]  }
0x251: {  	v5 =	vadd.s32 v10, v5;
	v25 =	vand.u32 $0xFFFFFFF8, v11;
	v18 =	vmul.f32 v18, v3;
	v24 =	vld [tilespmem:s20+$0x90]  }
0x252: {  	vm0 =	vge.f32 v8, v1;
	v26 =	vadd.f32 $-1.000000000e+00, v8;
	v19 =	vmul.f32 v19, v3;
	v4 =	vld.idx.msk [tilespmem:v4+s2+$0x0], $0xffff  }
0x253: {  	v10 =	vadd.s32 v21, v23;
	vm1 =	vge.f32 v18, v1;
	v27 =	vadd.f32 $-1.000000000e+00, v18;
	v22 =	vld.idx.msk [tilespmem:v22+s2+$0x0], $0xffff  }
0x254: {  	v7 =	vmul.f32 v7, v2;
	vm2 =	vge.f32 v19, v1;
	v21 =	vadd.f32 $-1.000000000e+00, v19;
	[tilespmem:s17+$0x90] =	vst v9;
	v9 =	vld.idx.msk [tilespmem:v20+s2+$0x0], $0xffff  }
0x255: {  	v8 =	vsel vm0, v26, v8;
	v16 =	vmul.f32 v16, v2;
	v18 =	vsel vm1, v27, v18;
	v20 =	vld [tilespmem:s20+$0x120]  }
0x256: {  	v23 =	vadd.f32 $-1.000000000e+00, v7;
	v24 =	vmul.f32 v24, v2;
	v19 =	vsel vm2, v21, v19;
	v21 =	vld [tilespmem:s20+$0x1A0]  }
0x257: {  	vm0 =	vge.f32 v7, v0;
	vm1 =	vge.f32 v16, v0;
	v26 =	vadd.f32 $-1.000000000e+00, v16;
	v14 =	vld.idx.msk [tilespmem:v14+s2+$0x0], $0xffff  }
0x258: {  	v8 =	vtrunc.f32 v8;
	vm2 =	vge.f32 v24, v0;
	v27 =	vadd.f32 $-1.000000000e+00, v24;
	[tilespmem:s18+$0xFFFFFF40] =	vst v4;
	v17 =	vld.idx.msk [tilespmem:v17+s2+$0x0], $0xffff  }
0x259: {  	v18 =	vtrunc.f32 v18;
	v19 =	vtrunc.f32 v19;
	v7 =	vsel vm0, v23, v7;
	v23 =	vld [tilespmem:s16+$0xFFFFFE50];
	[tilespmem:s18+$0xFFFFFFC0] =	vst v22  }
0x25a: {  	v16 =	vsel vm1, v26, v16;
	v22 =	vsel vm2, v27, v24;
	v20 =	vmul.f32 v20, v3;
	v24 =	vld [tilespmem:s16+$0xFFFFFF50];
	[tilespmem:s18+$0x40] =	vst v9  }
0x25b: {  	v8 =	vcvt.f32.s32 v8;
	v4 =	vadd.s32 v6, v25;
	v9 =	vmul.f32 v21, v2;
	v21 =	vld [tilespmem:s16+$0x50]  }
0x25c: {  	v18 =	vcvt.f32.s32 v18;
	v19 =	vcvt.f32.s32 v19;
	v6 =	vadd.f32 $-1.000000000e+00, v20;
	v25 =	vld [tilespmem:s16+$0xFFFFFED0]  }
0x25d: {  	v7 =	vtrunc.f32 v7;
	vm0 =	vge.f32 v20, v1;
	v26 =	vadd.f32 $-1.000000000e+00, v9;
	v27 =	vld [tilespmem:s16+$0xFFFFFFD0];
	[tilespmem:s14+$0xFFFFFF60] =	vst v14  }
0x25e: {  	v14 =	vtrunc.f32 v16;
	v6 =	vsel vm0, v6, v20;
	vm0 =	vge.f32 v9, v0;
	v16 =	vld [tilespmem:s16+$0xD0];
	[tilespmem:s14+$0xFFFFFFE0] =	vst v17  }
0x25f: {  	v17 =	vtrunc.f32 v22;
	v9 =	vsel vm0, v26, v9;
	v6 =	vtrunc.f32 v6;
	v13 =	vld.idx.msk [tilespmem:v13+s2+$0x0], $0xffff  }
0x260: {  	v20 =	vmul.u32 $0x68, v8;
	v8 =	vcvt.f32.s32 v6;
	v9 =	vtrunc.f32 v9;
	v6 =	vld [tilespmem:s15+$0xFFFFFE70]  }
0x261: {  	v18 =	vmul.u32 $0x68, v18;
	v22 =	vcvt.f32.s32 v7;
	v26 =	vcvt.f32.s32 v9;
	v9 =	vld [tilespmem:s15+$0xFFFFFF70]  }
0x262: {  	v28 =	vcvt.f32.s32 v14;
	v17 =	vcvt.f32.s32 v17;
	v14 =	vmul.u32 $0x68, v8;
	v7 =	vld [tilespmem:s15+$0xFFFFFEF0]  }
0x263: {  	v19 =	vmul.u32 $0x68, v19;
	v29 =	vand.u32 $0xFFFFFFF8, v22;
	v30 =	vand.u32 $0xFFFFFFF8, v26;
	v8 =	vld [tilespmem:s15+$0xFFFFFFF0]  }
0x264: {  	v31 =	vand.u32 $0xFFFFFFF8, v28;
	v26 =	vand.u32 $0x7, v26;
	v14 =	vadd.s32 v14, v30  }
0x265: {  	v20 =	vadd.s32 v20, v29;
	v29 =	vand.u32 $0xFFFFFFF8, v17;
	v26 =	vor.u32 v26, v14;
	[tilespmem:s14+$0x60] =	vst v13  }
0x266: {  	v18 =	vadd.s32 v18, v31;
	v19 =	vadd.s32 v19, v29;
	v13 =	vand.u32 $0x7, v22;
	v14 =	vld [tilespmem:s15+$0x70]  }
0x267: {  	v17 =	vand.u32 $0x7, v17;
	v22 =	vand.u32 $0x7, v28;
	v20 =	vor.u32 v13, v20;
	v13 =	vld [tilespmem:s15+$0xF0];
	s15 =	smov.u32 s16;
	s16 =	smov.u32 s20  }
0x268: {  	v17 =	vor.u32 v17, v19;
	v19 =	vmul.f32 v23, v3;
	v18 =	vor.u32 v22, v18  }
0x269: {  	v15 =	vand.u32 $0x7, v15;
	v21 =	vmul.f32 v21, v3;
	v22 =	vmul.f32 v24, v3  }
0x26a: {  	v24 =	vmul.f32 v25, v2;
	v25 =	vadd.f32 $-1.000000000e+00, v19;
	v23 =	vld.idx.msk [tilespmem:v26+s2+$0x0], $0xffff;
	v26 =	vmul.f32 v27, v2  }
0x26b: {  	v16 =	vmul.f32 v16, v2;
	v28 =	vadd.f32 $-1.000000000e+00, v21;
	v27 =	vadd.f32 $-1.000000000e+00, v22  }
0x26c: {  	vm0 =	vge.f32 v19, v1;
	v29 =	vadd.f32 $-1.000000000e+00, v24;
	vm1 =	vge.f32 v22, v1;
	v20 =	vld.idx.msk [tilespmem:v20+s2+$0x0], $0xffff  }
0x26d: {  	vm2 =	vge.f32 v21, v1;
	v31 =	vadd.f32 $-1.000000000e+00, v16;
	v30 =	vadd.f32 $-1.000000000e+00, v26;
	v18 =	vld.idx.msk [tilespmem:v18+s2+$0x0], $0xffff  }
0x26e: {  	v21 =	vsel vm2, v28, v21;
	v19 =	vsel vm0, v25, v19;
	v22 =	vsel vm1, v27, v22;
	v17 =	vld.idx.msk [tilespmem:v17+s2+$0x0], $0xffff  }
0x26f: {  	vm2 =	vge.f32 v16, v0;
	vm0 =	vge.f32 v24, v0;
	vm1 =	vge.f32 v26, v0  }
0x270: {  	v19 =	vtrunc.f32 v19;
	v22 =	vtrunc.f32 v22;
	[tilespmem:s17+$0xA0] =	vst v23;
	v23 =	vsel vm0, v29, v24  }
0x271: {  	v16 =	vsel vm2, v31, v16;
	v21 =	vtrunc.f32 v21;
	v25 =	vsel vm1, v30, v26;
	v24 =	vld [tilespmem:s20+$0x130]  }
0x272: {  	v12 =	vand.u32 $0x7, v12;
	v19 =	vcvt.f32.s32 v19;
	v22 =	vcvt.f32.s32 v22;
	[tilespmem:s17+$0xFFFFFF10] =	vst v20;
	v20 =	vld [tilespmem:s20+$0x1B0]  }
0x273: {  	v11 =	vand.u32 $0x7, v11;
	v21 =	vcvt.f32.s32 v21;
	v26 =	vld [tilespmem:s20+$0xFFFFFE20];
	[tilespmem:s17+$0xFFFFFF90] =	vst v18;
	v18 =	vtrunc.f32 v23  }
0x274: {  	v16 =	vtrunc.f32 v16;
	v23 =	vld [tilespmem:s20+$0xFFFFFF20];
	[tilespmem:s17+$0x10] =	vst v17;
	v17 =	vmul.u32 $0x68, v19;
	v19 =	vtrunc.f32 v25  }
0x275: {  	v22 =	vmul.u32 $0x68, v22;
	v18 =	vcvt.f32.s32 v18;
	v25 =	vld [tilespmem:s20+$0x20];
	v19 =	vcvt.f32.s32 v19  }
0x276: {  	v16 =	vcvt.f32.s32 v16;
	v21 =	vmul.u32 $0x68, v21;
	v27 =	vld [tilespmem:s20+$0xFFFFFEA0];
	v24 =	vmul.f32 v24, v3  }
0x277: {  	v29 =	vand.u32 $0xFFFFFFF8, v18;
	v28 =	vld [tilespmem:s20+$0xFFFFFFA0];
	v20 =	vmul.f32 v20, v2;
	v30 =	vand.u32 $0xFFFFFFF8, v19  }
0x278: {  	v33 =	vand.u32 $0xFFFFFFF8, v16;
	v26 =	vmul.f32 v26, v3;
	v31 =	vld [tilespmem:s20+$0xA0];
	v32 =	vadd.f32 $-1.000000000e+00, v24  }
0x279: {  	vm0 =	vge.f32 v24, v1;
	v23 =	vmul.f32 v23, v3;
	v34 =	vadd.f32 $-1.000000000e+00, v20  }
0x27a: {  	v25 =	vmul.f32 v25, v3;
	v24 =	vsel vm0, v32, v24;
	vm0 =	vge.f32 v20, v0  }
0x27b: {  	v27 =	vmul.f32 v27, v2;
	v20 =	vsel vm0, v34, v20;
	v24 =	vtrunc.f32 v24  }
0x27c: {  	v32 =	vadd.f32 $-1.000000000e+00, v26;
	v24 =	vcvt.f32.s32 v24;
	v20 =	vtrunc.f32 v20  }
0x27d: {  	v34 =	vadd.f32 $-1.000000000e+00, v23;
	v28 =	vmul.f32 v28, v2;
	v20 =	vcvt.f32.s32 v20  }
0x27e: {  	v35 =	vadd.f32 $-1.000000000e+00, v25;
	v31 =	vmul.f32 v31, v2;
	v24 =	vmul.u32 $0x68, v24  }
0x27f: {  	vm0 =	vge.f32 v26, v1;
	v36 =	vadd.f32 $-1.000000000e+00, v27;
	v37 =	vand.u32 $0xFFFFFFF8, v20  }
0x280: {  	vm1 =	vge.f32 v23, v1;
	v20 =	vand.u32 $0x7, v20;
	v24 =	vadd.s32 v24, v37  }
0x281: {  	vm2 =	vge.f32 v25, v1;
	v37 =	vadd.f32 $-1.000000000e+00, v28;
	v20 =	vor.u32 v20, v24  }
0x282: {  	v23 =	vsel vm1, v34, v23;
	v24 =	vsel vm0, v32, v26;
	v26 =	vadd.f32 $-1.000000000e+00, v31  }
0x283: {  	vm1 =	vge.f32 v28, v0;
	v25 =	vsel vm2, v35, v25;
	vm0 =	vge.f32 v27, v0  }
0x284: {  	v23 =	vtrunc.f32 v23;
	vm2 =	vge.f32 v31, v0;
	v24 =	vtrunc.f32 v24  }
0x285: {  	v25 =	vtrunc.f32 v25;
	v27 =	vsel vm0, v36, v27;
	v28 =	vsel vm1, v37, v28  }
0x286: {  	v23 =	vcvt.f32.s32 v23;
	v24 =	vcvt.f32.s32 v24;
	v26 =	vsel vm2, v26, v31;
	v20 =	vld.idx.msk [tilespmem:v20+s2+$0x0], $0xffff  }
0x287: {  	v17 =	vadd.s32 v17, v29;
	v25 =	vcvt.f32.s32 v25;
	v27 =	vtrunc.f32 v27  }
0x288: {  	v28 =	vtrunc.f32 v28;
	v26 =	vtrunc.f32 v26;
	v24 =	vmul.u32 $0x68, v24  }
0x289: {  	v23 =	vmul.u32 $0x68, v23;
	v27 =	vcvt.f32.s32 v27;
	v28 =	vcvt.f32.s32 v28  }
0x28a: {  	v22 =	vadd.s32 v22, v30;
	v25 =	vmul.u32 $0x68, v25;
	v26 =	vcvt.f32.s32 v26  }
0x28b: {  	v29 =	vand.u32 $0xFFFFFFF8, v27;
	v27 =	vand.u32 $0x7, v27;
	v30 =	vand.u32 $0xFFFFFFF8, v28  }
0x28c: {  	v24 =	vadd.s32 v24, v29;
	v23 =	vadd.s32 v23, v30;
	v29 =	vand.u32 $0xFFFFFFF8, v26;
	[tilespmem:s17+$0xB0] =	vst v20  }
0x28d: {  	v26 =	vand.u32 $0x7, v26;
	v25 =	vadd.s32 v25, v29;
	v20 =	vand.u32 $0x7, v28;
	v28 =	vld [tilespmem:s20+$0x140]  }
0x28e: {  	v24 =	vor.u32 v27, v24;
	v20 =	vor.u32 v20, v23;
	v23 =	vor.u32 v26, v25;
	v25 =	vld [tilespmem:s20+$0x1C0]  }
0x28f: {  	v21 =	vadd.s32 v21, v33;
	v18 =	vand.u32 $0x7, v18;
	v19 =	vand.u32 $0x7, v19  }
0x290: {  	v16 =	vand.u32 $0x7, v16;
	v17 =	vor.u32 v18, v17;
	v18 =	vor.u32 v19, v22  }
0x291: {  	v6 =	vmul.f32 v6, v3;
	v9 =	vmul.f32 v9, v3;
	v16 =	vor.u32 v16, v21  }
0x292: {  	v5 =	vor.u32 v15, v5;
	v14 =	vmul.f32 v14, v3;
	v19 =	vmul.f32 v28, v3  }
0x293: {  	v7 =	vmul.f32 v7, v2;
	v22 =	vadd.f32 $-1.000000000e+00, v6;
	v15 =	vld.idx.msk [tilespmem:v24+s2+$0x0], $0xffff;
	v21 =	vmul.f32 v25, v2  }
0x294: {  	v13 =	vmul.f32 v13, v2;
	v25 =	vmul.f32 v8, v2;
	v20 =	vld.idx.msk [tilespmem:v20+s2+$0x0], $0xffff;
	v24 =	vadd.f32 $-1.000000000e+00, v19  }
0x295: {  	v26 =	vadd.f32 $-1.000000000e+00, v9;
	vm0 =	vge.f32 v19, v1;
	v8 =	vld.idx.msk [tilespmem:v23+s2+$0x0], $0xffff;
	v23 =	vadd.f32 $-1.000000000e+00, v21  }
0x296: {  	v19 =	vsel vm0, v24, v19;
	vm0 =	vge.f32 v21, v0;
	v17 =	vld.idx.msk [tilespmem:v17+s2+$0x0], $0xffff;
	v24 =	vadd.f32 $-1.000000000e+00, v14  }
0x297: {  	v21 =	vsel vm0, v23, v21;
	v19 =	vtrunc.f32 v19;
	v18 =	vld.idx.msk [tilespmem:v18+s2+$0x0], $0xffff;
	vm0 =	vge.f32 v6, v1  }
0x298: {  	v23 =	vadd.f32 $-1.000000000e+00, v7;
	v19 =	vcvt.f32.s32 v19;
	v21 =	vtrunc.f32 v21;
	v16 =	vld.idx.msk [tilespmem:v16+s2+$0x0], $0xffff  }
0x299: {  	vm1 =	vge.f32 v9, v1;
	[tilespmem:s17+$0xFFFFFF20] =	vst v15;
	v15 =	vcvt.f32.s32 v21;
	v21 =	vadd.f32 $-1.000000000e+00, v25;
	v27 =	vld.idx.msk [tilespmem:v5+s2+$0x0], $0xffff  }
0x29a: {  	vm2 =	vge.f32 v14, v1;
	v28 =	vld [tilespmem:s20+$0xFFFFFE30];
	[tilespmem:s17+$0xFFFFFFA0] =	vst v20;
	v5 =	vmul.u32 $0x68, v19;
	v19 =	vadd.f32 $-1.000000000e+00, v13  }
0x29b: {  	v9 =	vsel vm1, v26, v9;
	v6 =	vsel vm0, v22, v6;
	v20 =	vld [tilespmem:s20+$0xFFFFFF30];
	[tilespmem:s17+$0x20] =	vst v8;
	v8 =	vand.u32 $0xFFFFFFF8, v15  }
0x29c: {  	v15 =	vand.u32 $0x7, v15;
	v22 =	vld [tilespmem:s20+$0x30];
	v5 =	vadd.s32 v5, v8;
	[tilespmem:s18+$0xFFFFFF50] =	vst v17;
	v17 =	vsel vm2, v24, v14  }
0x29d: {  	vm1 =	vge.f32 v25, v0;
	vm0 =	vge.f32 v7, v0;
	v24 =	vld [tilespmem:s20+$0xFFFFFEB0];
	v15 =	vor.u32 v15, v5;
	[tilespmem:s18+$0xFFFFFFD0] =	vst v18  }
0x29e: {  	v14 =	vtrunc.f32 v6;
	vm2 =	vge.f32 v13, v0;
	v5 =	vtrunc.f32 v9;
	v18 =	vld [tilespmem:s20+$0xFFFFFFB0];
	[tilespmem:s18+$0x50] =	vst v16  }
0x29f: {  	v8 =	vsel vm0, v23, v7;
	v6 =	vtrunc.f32 v17;
	v16 =	vmul.f32 v28, v3;
	v26 =	vld [tilespmem:s20+$0xB0];
	[tilespmem:s13+$0xFFFFFF70] =	vst v27  }
0x2a0: {  	v7 =	vsel vm1, v21, v25;
	v9 =	vsel vm2, v19, v13;
	v17 =	vmul.f32 v20, v3;
	v20 =	vld [tilespmem:s15+$0xFFFFFE60]  }
0x2a1: {  	vm0 =	vge.f32 v16, v1;
	v13 =	vadd.f32 $-1.000000000e+00, v16;
	v19 =	vmul.f32 v22, v3;
	v21 =	vld [tilespmem:s15+$0xFFFFFF60]  }
0x2a2: {  	v22 =	vmul.f32 v24, v2;
	vm1 =	vge.f32 v17, v1;
	v23 =	vadd.f32 $-1.000000000e+00, v17;
	v15 =	vld.idx.msk [tilespmem:v15+s2+$0x0], $0xffff  }
0x2a3: {  	v18 =	vmul.f32 v18, v2;
	vm2 =	vge.f32 v19, v1;
	v24 =	vadd.f32 $-1.000000000e+00, v19;
	v25 =	vld [tilespmem:s15+$0x60]  }
0x2a4: {  	v13 =	vsel vm0, v13, v16;
	v16 =	vadd.f32 $-1.000000000e+00, v22;
	v26 =	vmul.f32 v26, v2;
	v27 =	vld [tilespmem:s15+$0xFFFFFEE0]  }
0x2a5: {  	v17 =	vsel vm1, v23, v17;
	v23 =	vadd.f32 $-1.000000000e+00, v18;
	v19 =	vsel vm2, v24, v19;
	v24 =	vld [tilespmem:s15+$0xFFFFFFE0]  }
0x2a6: {  	vm0 =	vge.f32 v22, v0;
	vm1 =	vge.f32 v18, v0;
	v28 =	vadd.f32 $-1.000000000e+00, v26;
	v29 =	vld [tilespmem:s15+$0xE0]  }
0x2a7: {  	v13 =	vtrunc.f32 v13;
	v17 =	vtrunc.f32 v17;
	vm2 =	vge.f32 v26, v0  }
0x2a8: {  	v16 =	vsel vm0, v16, v22;
	v19 =	vtrunc.f32 v19;
	v18 =	vsel vm1, v23, v18;
	[tilespmem:s17+$0xC0] =	vst v15  }
0x2a9: {  	v13 =	vcvt.f32.s32 v13;
	v15 =	vcvt.f32.s32 v17;
	v17 =	vsel vm2, v28, v26;
	v22 =	vld [tilespmem:s20+$0x150]  }
0x2aa: {  	v10 =	vor.u32 v12, v10;
	v16 =	vtrunc.f32 v16;
	v19 =	vcvt.f32.s32 v19;
	v23 =	vld [tilespmem:s20+$0x1D0]  }
0x2ab: {  	v12 =	vmul.u32 $0x68, v13;
	v13 =	vtrunc.f32 v18;
	v17 =	vtrunc.f32 v17  }
0x2ac: {  	v16 =	vcvt.f32.s32 v16;
	v13 =	vcvt.f32.s32 v13;
	v15 =	vmul.u32 $0x68, v15  }
0x2ad: {  	v18 =	vmul.u32 $0x68, v19;
	v19 =	vmul.f32 v20, v3;
	v17 =	vcvt.f32.s32 v17  }
0x2ae: {  	v20 =	vand.u32 $0xFFFFFFF8, v16;
	v26 =	vand.u32 $0xFFFFFFF8, v13;
	v22 =	vmul.f32 v22, v3  }
0x2af: {  	v12 =	vadd.s32 v12, v20;
	v20 =	vand.u32 $0xFFFFFFF8, v17;
	v23 =	vmul.f32 v23, v2;
	v10 =	vld.idx.msk [tilespmem:v10+s2+$0x0], $0xffff  }
0x2b0: {  	v15 =	vadd.s32 v15, v26;
	v18 =	vadd.s32 v18, v20;
	v20 =	vadd.f32 $-1.000000000e+00, v22  }
0x2b1: {  	v16 =	vand.u32 $0x7, v16;
	vm0 =	vge.f32 v22, v1;
	v26 =	vadd.f32 $-1.000000000e+00, v23  }
0x2b2: {  	v13 =	vand.u32 $0x7, v13;
	v20 =	vsel vm0, v20, v22;
	vm0 =	vge.f32 v23, v0  }
0x2b3: {  	v17 =	vand.u32 $0x7, v17;
	v22 =	vsel vm0, v26, v23;
	v20 =	vtrunc.f32 v20  }
0x2b4: {  	v12 =	vor.u32 v16, v12;
	v16 =	vcvt.f32.s32 v20;
	v20 =	vtrunc.f32 v22  }
0x2b5: {  	v13 =	vor.u32 v13, v15;
	v15 =	vor.u32 v17, v18;
	v17 =	vcvt.f32.s32 v20;
	[tilespmem:s13+$0xFFFFFFF0] =	vst v10  }
0x2b6: {  	v18 =	vmul.f32 v25, v3;
	v10 =	vmul.u32 $0x68, v16;
	v16 =	vmul.f32 v21, v3  }
0x2b7: {  	v22 =	vmul.f32 v24, v2;
	v21 =	vmul.f32 v27, v2;
	v20 =	vand.u32 $0xFFFFFFF8, v17  }
0x2b8: {  	v17 =	vand.u32 $0x7, v17;
	v10 =	vadd.s32 v10, v20;
	v20 =	vmul.f32 v29, v2  }
0x2b9: {  	v23 =	vadd.f32 $-1.000000000e+00, v16;
	v12 =	vld.idx.msk [tilespmem:v12+s2+$0x0], $0xffff;
	v10 =	vor.u32 v17, v10;
	v17 =	vadd.f32 $-1.000000000e+00, v19  }
0x2ba: {  	v25 =	vadd.f32 $-1.000000000e+00, v18;
	vm0 =	vge.f32 v19, v1;
	v24 =	vadd.f32 $-1.000000000e+00, v21;
	v13 =	vld.idx.msk [tilespmem:v13+s2+$0x0], $0xffff  }
0x2bb: {  	vm2 =	vge.f32 v18, v1;
	v26 =	vadd.f32 $-1.000000000e+00, v22;
	vm1 =	vge.f32 v16, v1;
	v15 =	vld.idx.msk [tilespmem:v15+s2+$0x0], $0xffff  }
0x2bc: {  	v16 =	vsel vm1, v23, v16;
	v17 =	vsel vm0, v17, v19;
	v19 =	vadd.f32 $-1.000000000e+00, v20  }
0x2bd: {  	v18 =	vsel vm2, v25, v18;
	vm1 =	vge.f32 v22, v0;
	vm0 =	vge.f32 v21, v0  }
0x2be: {  	vm2 =	vge.f32 v20, v0;
	v16 =	vtrunc.f32 v16;
	v17 =	vtrunc.f32 v17;
	v10 =	vld.idx.msk [tilespmem:v10+s2+$0x0], $0xffff  }
0x2bf: {  	v18 =	vtrunc.f32 v18;
	[tilespmem:s17+$0xFFFFFF30] =	vst v12;
	v12 =	vsel vm0, v24, v21;
	v21 =	vsel vm1, v26, v22  }
0x2c0: {  	v22 =	vld [tilespmem:s20+$0xFFFFFE40];
	[tilespmem:s17+$0xFFFFFFB0] =	vst v13;
	v13 =	vcvt.f32.s32 v17;
	v17 =	vcvt.f32.s32 v16;
	v16 =	vsel vm2, v19, v20  }
0x2c1: {  	v4 =	vor.u32 v11, v4;
	v18 =	vcvt.f32.s32 v18;
	v12 =	vtrunc.f32 v12;
	v20 =	vld [tilespmem:s20+$0xFFFFFF40];
	[tilespmem:s17+$0x30] =	vst v15  }
0x2c2: {  	v19 =	vtrunc.f32 v16;
	v11 =	vld [tilespmem:s20+$0x40];
	v23 =	vmul.u32 $0x68, v13;
	v13 =	vtrunc.f32 v21  }
0x2c3: {  	v16 =	vcvt.f32.s32 v12;
	v17 =	vmul.u32 $0x68, v17;
	v21 =	vld [tilespmem:s20+$0xFFFFFEC0];
	v15 =	vcvt.f32.s32 v13  }
0x2c4: {  	v12 =	vcvt.f32.s32 v19;
	v13 =	vmul.u32 $0x68, v18;
	v24 =	vld [tilespmem:s20+$0xFFFFFFC0];
	[tilespmem:s17+$0xD0] =	vst v10;
	v10 =	vcvt.f32.s32 v14  }
0x2c5: {  	v14 =	vand.u32 $0xFFFFFFF8, v16;
	v22 =	vmul.f32 v22, v3;
	v25 =	vld [tilespmem:s20+$0x160];
	v19 =	vand.u32 $0xFFFFFFF8, v15  }
0x2c6: {  	v18 =	vadd.s32 v23, v14;
	v14 =	vand.u32 $0xFFFFFFF8, v12;
	v26 =	vmul.f32 v20, v3;
	v27 =	vld [tilespmem:s20+$0x1E0]  }
0x2c7: {  	vm0 =	vge.f32 v22, v1;
	v23 =	vadd.f32 $-1.000000000e+00, v22;
	v28 =	vld [tilespmem:s20+$0xC0];
	v11 =	vmul.f32 v11, v3  }
0x2c8: {  	v29 =	vmul.f32 v21, v2;
	vm1 =	vge.f32 v26, v1;
	v21 =	vadd.f32 $-1.000000000e+00, v26;
	v30 =	vld.idx.msk [tilespmem:v4+s2+$0x0], $0xffff  }
0x2c9: {  	v20 =	vmul.f32 v24, v2;
	vm2 =	vge.f32 v11, v1;
	v24 =	vadd.f32 $-1.000000000e+00, v11  }
0x2ca: {  	v23 =	vsel vm0, v23, v22;
	v22 =	vadd.f32 $-1.000000000e+00, v29;
	v25 =	vmul.f32 v25, v3  }
0x2cb: {  	v26 =	vsel vm1, v21, v26;
	v21 =	vadd.f32 $-1.000000000e+00, v20;
	v27 =	vmul.f32 v27, v2  }
0x2cc: {  	v4 =	vmul.f32 v28, v2;
	v28 =	vsel vm2, v24, v11;
	v24 =	vadd.f32 $-1.000000000e+00, v25  }
0x2cd: {  	vm2 =	vge.f32 v29, v0;
	vm0 =	vge.f32 v25, v1;
	v31 =	vadd.f32 $-1.000000000e+00, v27  }
.Ltmp0:
0x2ce: {  	vm1 =	vge.f32 v27, v0;
	v11 =	vadd.f32 $-1.000000000e+00, v4;
	v24 =	vsel vm0, v24, v25;
	[tilespmem:s13+$0x70] =	vst v30;
	s13 =	smov.u32 s14;
	s14 =	smov.u32 s18;
	(pc) =	sbr.rel @p0 .LBB2_2-.Ltmp0, $4  }
0x2cf: {  	vm0 =	vge.f32 v20, v0;
	s18 =	smov.u32 s17;
	v25 =	vsel vm1, v31, v27;
	v24 =	vtrunc.f32 v24  }
0x2d0: {  	vm1 =	vge.f32 v4, v0;
	v27 =	vcvt.f32.s32 v24;
	v25 =	vtrunc.f32 v25  }
0x2d1: {  	v22 =	vsel vm2, v22, v29;
	v24 =	vtrunc.f32 v23;
	v23 =	vcvt.f32.s32 v25  }
0x2d2: {  	s20 =	sadd.s32 $0x400, s20;
	v26 =	vtrunc.f32 v26;
	v25 =	vtrunc.f32 v28;
	v27 =	vmul.u32 $0x68, v27  }
0x2d3: {  	v20 =	vsel vm0, v21, v20;
	v4 =	vsel vm1, v11, v4;
	v37 =	vcvt.f32.s32 v24  }
0x2d4: {  	v36 =	vand.u32 $0xFFFFFFF8, v23;
	v38 =	vcvt.f32.s32 v26;
	v22 =	vtrunc.f32 v22  }
0x2d5: {  	v39 =	vand.u32 $0x7, v23;
	v25 =	vcvt.f32.s32 v25;
	v22 =	vcvt.f32.s32 v22  }
0x2d6: {  	v20 =	vtrunc.f32 v20;
	v4 =	vtrunc.f32 v4;
	v21 =	vmul.u32 $0x68, v37  }
0x2d7: {  	v20 =	vcvt.f32.s32 v20;
	v40 =	vmul.u32 $0x68, v38;
	v42 =	vand.u32 $0xFFFFFFF8, v22  }
0x2d8: {  	v4 =	vcvt.f32.s32 v4;
	v22 =	vand.u32 $0x7, v22;
	v21 =	vadd.s32 v21, v42  }
0x2d9: {  	v41 =	vmul.u32 $0x68, v25;
	v43 =	vand.u32 $0xFFFFFFF8, v20;
	v21 =	vor.u32 v22, v21  }
0x2da: {  	v44 =	vand.u32 $0xFFFFFFF8, v4;
	v20 =	vand.u32 $0x7, v20;
	v23 =	vadd.s32 v40, v43  }
0x2db: {  	v4 =	vand.u32 $0x7, v4;
	v45 =	vadd.s32 v41, v44;
	v20 =	vor.u32 v20, v23  }
0x2dc: {  	v4 =	vor.u32 v4, v45;
	_ =	sdelay $0x1  }
0x2dd: {  	v21 =	vld.idx.msk [tilespmem:v21+s2+$0x0], $0xffff;
	_ =	sdelay $0x1  }
0x2de: {  	v20 =	vld.idx.msk [tilespmem:v20+s2+$0x0], $0xffff  }
0x2df: {  	v4 =	vld.idx.msk [tilespmem:v4+s2+$0x0], $0xffff;
	_ =	sdelay $0x1  }
0x2e0: {  	[tilespmem:s18+$0xFFFFFF40] =	vst v21  }
0x2e1: {  	v21 =	vld [tilespmem:s16+$0xFFFFFE50]  }
0x2e2: {  	[tilespmem:s18+$0xFFFFFFC0] =	vst v20;
	v47 =	vld [tilespmem:s16+$0xFFFFFED0]  }
0x2e3: {  	[tilespmem:s18+$0x40] =	vst v4;
	v20 =	vld [tilespmem:s16+$0xFFFFFF50]  }
0x2e4: {  	v4 =	vld [tilespmem:s16+$0x50]  }
0x2e5: {  	v48 =	vld [tilespmem:s16+$0xFFFFFFD0]  }
0x2e6: {  	v49 =	vld [tilespmem:s16+$0xD0];
	_ =	sdelay $0x1  }
0x2e7: {  	v17 =	vadd.s32 v17, v19;
	v16 =	vand.u32 $0x7, v16;
	v15 =	vand.u32 $0x7, v15  }
0x2e8: {  	v11 =	vadd.s32 v27, v36;
	v50 =	vmul.f32 v21, v3;
	v51 =	vmul.f32 v47, v2  }
0x2e9: {  	v16 =	vor.u32 v16, v18;
	v20 =	vmul.f32 v20, v3;
	v4 =	vmul.f32 v4, v3  }
0x2ea: {  	v11 =	vor.u32 v39, v11;
	v52 =	vmul.f32 v48, v2;
	v25 =	vmul.f32 v49, v2  }
0x2eb: {  	v21 =	vadd.f32 $-1.000000000e+00, v50;
	vm15 =	vge.f32 v50, v1;
	v55 =	vadd.f32 $-1.000000000e+00, v51  }
0x2ec: {  	vm6 =	vge.f32 v51, v0;
	v53 =	vadd.f32 $-1.000000000e+00, v20;
	v54 =	vadd.f32 $-1.000000000e+00, v4  }
0x2ed: {  	vm4 =	vge.f32 v20, v1;
	v28 =	vadd.f32 $-1.000000000e+00, v52;
	vm5 =	vge.f32 v4, v1  }
0x2ee: {  	v56 =	vadd.f32 $-1.000000000e+00, v25;
	vm7 =	vge.f32 v52, v0;
	vm2 =	vge.f32 v25, v0  }
0x2ef: {  	v19 =	vsel vm15, v21, v50;
	v18 =	vsel vm6, v55, v51;
	v20 =	vsel vm4, v53, v20  }
0x2f0: {  	v4 =	vsel vm5, v54, v4;
	v19 =	vtrunc.f32 v19;
	v18 =	vtrunc.f32 v18  }
0x2f1: {  	v23 =	vsel vm7, v28, v52;
	v20 =	vtrunc.f32 v20;
	v4 =	vtrunc.f32 v4  }
0x2f2: {  	v21 =	vsel vm2, v56, v25;
	v19 =	vcvt.f32.s32 v19;
	v23 =	vtrunc.f32 v23  }
0x2f3: {  	v15 =	vor.u32 v15, v17;
	v21 =	vtrunc.f32 v21;
	v57 =	vcvt.f32.s32 v18  }
0x2f4: {  	v20 =	vcvt.f32.s32 v20;
	v4 =	vcvt.f32.s32 v4;
	v19 =	vmul.u32 $0x68, v19  }
0x2f5: {  	v11 =	vld.idx.msk [tilespmem:v11+s2+$0x0], $0xffff;
	v58 =	vcvt.f32.s32 v23;
	v21 =	vcvt.f32.s32 v21;
	v59 =	vand.u32 $0xFFFFFFF8, v57  }
0x2f6: {  	v17 =	vand.u32 $0x7, v57;
	v20 =	vmul.u32 $0x68, v20;
	v19 =	vadd.s32 v19, v59  }
0x2f7: {  	v4 =	vmul.u32 $0x68, v4;
	v60 =	vand.u32 $0xFFFFFFF8, v58;
	v17 =	vor.u32 v17, v19  }
0x2f8: {  	v61 =	vand.u32 $0xFFFFFFF8, v21;
	v18 =	vand.u32 $0x7, v58;
	v20 =	vadd.s32 v20, v60  }
0x2f9: {  	v16 =	vld.idx.msk [tilespmem:v16+s2+$0x0], $0xffff;
	v62 =	vand.u32 $0x7, v21;
	v4 =	vadd.s32 v4, v61;
	v18 =	vor.u32 v18, v20  }
0x2fa: {  	v15 =	vld.idx.msk [tilespmem:v15+s2+$0x0], $0xffff;
	[tilespmem:s17+$0xE0] =	vst v11;
	v4 =	vor.u32 v62, v4  }
0x2fb: {  	v11 =	vld [tilespmem:s16+$0x170]  }
0x2fc: {  	v5 =	vcvt.f32.s32 v5;
	v13 =	vadd.s32 v13, v14;
	v8 =	vtrunc.f32 v8;
	v17 =	vld.idx.msk [tilespmem:v17+s2+$0x0], $0xffff  }
0x2fd: {  	v6 =	vcvt.f32.s32 v6;
	v12 =	vand.u32 $0x7, v12;
	v7 =	vtrunc.f32 v7;
	v46 =	vld [tilespmem:s16+$0x1F0]  }
0x2fe: {  	v9 =	vtrunc.f32 v9;
	v10 =	vmul.u32 $0x68, v10;
	v8 =	vcvt.f32.s32 v8;
	v18 =	vld.idx.msk [tilespmem:v18+s2+$0x0], $0xffff  }
0x2ff: {  	v12 =	vor.u32 v12, v13;
	v7 =	vcvt.f32.s32 v7;
	v9 =	vcvt.f32.s32 v9;
	[tilespmem:s14+$0xFFFFFF60] =	vst v16;
	v24 =	vld.idx.msk [tilespmem:v4+s2+$0x0], $0xffff  }
0x300: {  	v5 =	vmul.u32 $0x68, v5;
	v6 =	vmul.u32 $0x68, v6;
	v34 =	vand.u32 $0xFFFFFFF8, v8;
	[tilespmem:s14+$0xFFFFFFE0] =	vst v15;
	v27 =	vld [tilespmem:s15+$0xFFFFFE70]  }
0x301: {  	v35 =	vand.u32 $0xFFFFFFF8, v7;
	v37 =	vand.u32 $0xFFFFFFF8, v9;
	v29 =	vld [tilespmem:s15+$0xFFFFFF70];
	v11 =	vmul.f32 v11, v3;
	[tilespmem:s18+$0xFFFFFF50] =	vst v17  }
0x302: {  	v8 =	vand.u32 $0x7, v8;
	v7 =	vand.u32 $0x7, v7;
	v22 =	vmul.f32 v46, v2;
	v30 =	vld [tilespmem:s16+$0xFFFFFE60]  }
0x303: {  	v9 =	vand.u32 $0x7, v9;
	v10 =	vadd.s32 v10, v34;
	v63 =	vadd.f32 $-1.000000000e+00, v11;
	[tilespmem:s18+$0xFFFFFFD0] =	vst v18;
	v33 =	vld [tilespmem:s16+$0xFFFFFEE0]  }
0x304: {  	v5 =	vadd.s32 v5, v35;
	vm8 =	vge.f32 v11, v1;
	v23 =	vadd.f32 $-1.000000000e+00, v22;
	[tilespmem:s18+$0x50] =	vst v24;
	v31 =	vld [tilespmem:s16+$0xFFFFFF60]  }
0x305: {  	v6 =	vadd.s32 v6, v37;
	vm9 =	vge.f32 v22, v0;
	v11 =	vsel vm8, v63, v11;
	v32 =	vld [tilespmem:s16+$0x60]  }
0x306: {  	v15 =	vmul.f32 v27, v3;
	v11 =	vtrunc.f32 v11;
	v19 =	vsel vm9, v23, v22;
	v18 =	vld [tilespmem:s16+$0xFFFFFFE0]  }
0x307: {  	v8 =	vor.u32 v8, v10;
	v11 =	vcvt.f32.s32 v11;
	v19 =	vtrunc.f32 v19;
	v36 =	vld [tilespmem:s16+$0xE0]  }
0x308: {  	v5 =	vor.u32 v7, v5;
	v6 =	vor.u32 v9, v6;
	v19 =	vcvt.f32.s32 v19  }
0x309: {  	v55 =	vadd.f32 $-1.000000000e+00, v15;
	v25 =	vmul.u32 $0x68, v11;
	v11 =	vmul.f32 v29, v3  }
0x30a: {  	v26 =	vand.u32 $0xFFFFFFF8, v19;
	v16 =	vmul.f32 v30, v3;
	v13 =	vmul.f32 v33, v2  }
0x30b: {  	v28 =	vand.u32 $0x7, v19;
	v14 =	vmul.f32 v31, v3;
	v17 =	vmul.f32 v32, v3  }
0x30c: {  	v18 =	vmul.f32 v18, v2;
	v38 =	vmul.f32 v36, v2;
	v39 =	vadd.f32 $-1.000000000e+00, v16  }
0x30d: {  	vm10 =	vge.f32 v16, v1;
	v41 =	vadd.f32 $-1.000000000e+00, v13;
	vm13 =	vge.f32 v13, v0  }
0x30e: {  	v40 =	vadd.f32 $-1.000000000e+00, v14;
	v42 =	vadd.f32 $-1.000000000e+00, v17;
	vm11 =	vge.f32 v14, v1  }
0x30f: {  	v12 =	vld.idx.msk [tilespmem:v12+s2+$0x0], $0xffff;
	v43 =	vadd.f32 $-1.000000000e+00, v18;
	vm12 =	vge.f32 v17, v1;
	v44 =	vadd.f32 $-1.000000000e+00, v38  }
0x310: {  	vm14 =	vge.f32 v18, v0;
	vm15 =	vge.f32 v38, v0;
	v16 =	vsel vm10, v39, v16  }
0x311: {  	v13 =	vsel vm13, v41, v13;
	v14 =	vsel vm11, v40, v14;
	v16 =	vtrunc.f32 v16  }
0x312: {  	v17 =	vsel vm12, v42, v17;
	v13 =	vtrunc.f32 v13;
	v14 =	vtrunc.f32 v14  }
0x313: {  	v45 =	vsel vm14, v43, v18;
	v17 =	vtrunc.f32 v17;
	v16 =	vcvt.f32.s32 v16  }
0x314: {  	[tilespmem:s14+$0x60] =	vst v12;
	v19 =	vsel vm15, v44, v38;
	v12 =	vtrunc.f32 v45;
	v13 =	vcvt.f32.s32 v13  }
0x315: {  	v46 =	vld [tilespmem:s15+$0x70];
	v19 =	vtrunc.f32 v19;
	v14 =	vcvt.f32.s32 v14;
	v16 =	vmul.u32 $0x68, v16  }
0x316: {  	v17 =	vcvt.f32.s32 v17;
	v12 =	vcvt.f32.s32 v12;
	v49 =	vand.u32 $0xFFFFFFF8, v13  }
0x317: {  	v47 =	vld [tilespmem:s15+$0xFFFFFEF0];
	v13 =	vand.u32 $0x7, v13;
	v14 =	vmul.u32 $0x68, v14;
	v16 =	vadd.s32 v16, v49  }
0x318: {  	v48 =	vld [tilespmem:s15+$0xFFFFFFF0];
	v19 =	vcvt.f32.s32 v19;
	v51 =	vand.u32 $0xFFFFFFF8, v12;
	v13 =	vor.u32 v13, v16  }
0x319: {  	v12 =	vand.u32 $0x7, v12;
	v17 =	vmul.u32 $0x68, v17;
	v14 =	vadd.s32 v14, v51  }
0x31a: {  	v50 =	vld [tilespmem:s15+$0xF0];
	v52 =	vmul.f32 v46, v3;
	v54 =	vand.u32 $0xFFFFFFF8, v19;
	v12 =	vor.u32 v12, v14  }
0x31b: {  	vm4 =	vge.f32 v15, v1;
	v56 =	vand.u32 $0x7, v19;
	v14 =	vadd.s32 v17, v54  }
0x31c: {  	v53 =	vmul.f32 v47, v2;
	v15 =	vsel vm4, v55, v15;
	v14 =	vor.u32 v56, v14  }
0x31d: {  	vm5 =	vge.f32 v11, v1;
	v15 =	vtrunc.f32 v15;
	v57 =	vmul.f32 v48, v2;
	v13 =	vld.idx.msk [tilespmem:v13+s2+$0x0], $0xffff  }
0x31e: {  	vm6 =	vge.f32 v52, v1;
	vm7 =	vge.f32 v53, v0;
	v15 =	vcvt.f32.s32 v15  }
0x31f: {  	v58 =	vmul.f32 v50, v2;
	v59 =	vadd.f32 $-1.000000000e+00, v11;
	vm8 =	vge.f32 v57, v0;
	v12 =	vld.idx.msk [tilespmem:v12+s2+$0x0], $0xffff  }
0x320: {  	v34 =	vmul.u32 $0x68, v15;
	v60 =	vadd.f32 $-1.000000000e+00, v52;
	v62 =	vadd.f32 $-1.000000000e+00, v57  }
0x321: {  	v61 =	vadd.f32 $-1.000000000e+00, v53;
	v63 =	vadd.f32 $-1.000000000e+00, v58;
	v11 =	vsel vm5, v59, v11;
	v14 =	vld.idx.msk [tilespmem:v14+s2+$0x0], $0xffff  }
0x322: {  	v11 =	vtrunc.f32 v11;
	v4 =	vadd.s32 v25, v26;
	v25 =	vsel vm8, v62, v57;
	[tilespmem:s18+$0xFFFFFF60] =	vst v13  }
0x323: {  	vm9 =	vge.f32 v58, v0;
	v11 =	vcvt.f32.s32 v11;
	v29 =	vtrunc.f32 v25;
	v26 =	vld [tilespmem:s16+$0xFFFFFE70]  }
0x324: {  	v10 =	vsel vm7, v61, v53;
	v27 =	vsel vm9, v63, v58;
	v7 =	vcvt.f32.s32 v29;
	[tilespmem:s18+$0xFFFFFFE0] =	vst v12;
	v31 =	vld [tilespmem:s16+$0xFFFFFEF0]  }
0x325: {  	v10 =	vtrunc.f32 v10;
	v11 =	vmul.u32 $0x68, v11;
	v4 =	vor.u32 v28, v4;
	v28 =	vld [tilespmem:s16+$0xFFFFFF70]  }
0x326: {  	v37 =	vand.u32 $0xFFFFFFF8, v7;
	v30 =	vtrunc.f32 v27;
	v16 =	vsel vm6, v60, v52;
	v33 =	vld [tilespmem:s16+$0xFFFFFFF0];
	[tilespmem:s18+$0x60] =	vst v14  }
0x327: {  	v7 =	vand.u32 $0x7, v7;
	v32 =	vcvt.f32.s32 v10;
	v16 =	vtrunc.f32 v16;
	v35 =	vld [tilespmem:s16+$0x70]  }
0x328: {  	v11 =	vadd.s32 v11, v37;
	v16 =	vcvt.f32.s32 v16;
	v13 =	vcvt.f32.s32 v30;
	v38 =	vld [tilespmem:s16+$0xF0]  }
0x329: {  	v53 =	vor.u32 v7, v11;
	v36 =	vand.u32 $0xFFFFFFF8, v32;
	v9 =	vand.u32 $0x7, v32  }
0x32a: {  	v16 =	vmul.u32 $0x68, v16;
	v14 =	vadd.s32 v34, v36;
	v39 =	vand.u32 $0xFFFFFFF8, v13  }
0x32b: {  	v13 =	vand.u32 $0x7, v13;
	v12 =	vmul.f32 v26, v3;
	v41 =	vmul.f32 v31, v2  }
0x32c: {  	v16 =	vadd.s32 v16, v39;
	v18 =	vmul.f32 v28, v3;
	v10 =	vmul.f32 v33, v2  }
0x32d: {  	v40 =	vmul.f32 v35, v3;
	v42 =	vadd.f32 $-1.000000000e+00, v12;
	v43 =	vmul.f32 v38, v2  }
0x32e: {  	vm10 =	vge.f32 v12, v1;
	v46 =	vadd.f32 $-1.000000000e+00, v41;
	vm13 =	vge.f32 v41, v0  }
0x32f: {  	v44 =	vadd.f32 $-1.000000000e+00, v18;
	vm11 =	vge.f32 v18, v1;
	v47 =	vadd.f32 $-1.000000000e+00, v10  }
0x330: {  	vm14 =	vge.f32 v10, v0;
	v45 =	vadd.f32 $-1.000000000e+00, v40;
	vm12 =	vge.f32 v40, v1  }
0x331: {  	v48 =	vadd.f32 $-1.000000000e+00, v43;
	v12 =	vsel vm10, v42, v12;
	vm15 =	vge.f32 v43, v0  }
0x332: {  	v50 =	vsel vm13, v46, v41;
	v49 =	vsel vm11, v44, v18;
	v12 =	vtrunc.f32 v12  }
0x333: {  	v10 =	vsel vm14, v47, v10;
	v0 =	vtrunc.f32 v50;
	v15 =	vtrunc.f32 v49  }
0x334: {  	v3 =	vsel vm12, v45, v40;
	v12 =	vcvt.f32.s32 v12;
	v54 =	vtrunc.f32 v10  }
0x335: {  	v1 =	vsel vm15, v48, v43;
	v0 =	vcvt.f32.s32 v0;
	v3 =	vtrunc.f32 v3  }
0x336: {  	v9 =	vor.u32 v9, v14;
	v51 =	vcvt.f32.s32 v15;
	v1 =	vtrunc.f32 v1  }
0x337: {  	v55 =	vor.u32 v13, v16;
	v7 =	vcvt.f32.s32 v54;
	v52 =	vcvt.f32.s32 v3  }
0x338: {  	v56 =	vmul.u32 $0x68, v12;
	v1 =	vcvt.f32.s32 v1;
	v58 =	vand.u32 $0xFFFFFFF8, v0  }
0x339: {  	v8 =	vld.idx.msk [tilespmem:v8+s2+$0x0], $0xffff;
	v0 =	vand.u32 $0x7, v0;
	v57 =	vmul.u32 $0x68, v51;
	v59 =	vand.u32 $0xFFFFFFF8, v7  }
0x33a: {  	v5 =	vld.idx.msk [tilespmem:v5+s2+$0x0], $0xffff;
	v7 =	vand.u32 $0x7, v7;
	v2 =	vmul.u32 $0x68, v52;
	v11 =	vadd.s32 v56, v58  }
0x33b: {  	v6 =	vld.idx.msk [tilespmem:v6+s2+$0x0], $0xffff;
	v60 =	vand.u32 $0xFFFFFFF8, v1;
	v12 =	vadd.s32 v57, v59;
	v0 =	vor.u32 v0, v11  }
0x33c: {  	v4 =	vld.idx.msk [tilespmem:v4+s2+$0x0], $0xffff;
	v1 =	vand.u32 $0x7, v1;
	v2 =	vadd.s32 v2, v60;
	v7 =	vor.u32 v7, v12  }
0x33d: {  	v61 =	vld.idx.msk [tilespmem:v53+s2+$0x0], $0xffff;
	v1 =	vor.u32 v1, v2  }
0x33e: {  	[tilespmem:s13+$0xFFFFFF70] =	vst v8;
	v9 =	vld.idx.msk [tilespmem:v9+s2+$0x0], $0xffff  }
0x33f: {  	[tilespmem:s13+$0xFFFFFFF0] =	vst v5;
	v62 =	vld.idx.msk [tilespmem:v55+s2+$0x0], $0xffff  }
0x340: {  	[tilespmem:s13+$0x70] =	vst v6;
	v0 =	vld.idx.msk [tilespmem:v0+s2+$0x0], $0xffff  }
0x341: {  	[tilespmem:s18+$0xF0] =	vst v4;
	v63 =	vld.idx.msk [tilespmem:v7+s2+$0x0], $0xffff  }
0x342: {  	[tilespmem:s14+$0xFFFFFFF0] =	vst v61;
	v1 =	vld.idx.msk [tilespmem:v1+s2+$0x0], $0xffff  }
0x343: {  	[tilespmem:s14+$0xFFFFFF70] =	vst v9  }
0x344: {  	[tilespmem:s14+$0x70] =	vst v62  }
0x345: {  	s12 =	sadd.s32 $0x1, s12;
	[tilespmem:s18+$0xFFFFFF70] =	vst v0  }
0x346: {  	p0 =	sne.s32 s12, s7;
	[tilespmem:s18+$0xFFFFFFF0] =	vst v63  }
.Ltmp1:
0x347: {  	[tilespmem:s18+$0x70] =	vst v1;
	(pc) =	sbr.rel @p0 .LBB2_1-.Ltmp1, $4  }
0x348: {  	[hbm4b:s6+s2] =	stream.linear.scatter [tilespmem:s11], [sflag:$0x1], $0x8000, $0x38;
	[tilespmem:$0x1A8E0] =	vst v63  }
0x349: {  	_ =	swait.ge [sflag:s8], $0x8000  }
0x34a: {  	[sflag:s8] =	ssyncset.done $0x0  }
0x34b: {  	[sflag:s8] =	ssyncadd.s32 $0xFFFF8000  }
0x34c: {  	_ =	sfence.sel $0x180000  }
0x34d: {  	[bflag:$0x0] =	sbarrier.arrive $0xFFFF  }
0x34e: {  	p0 =	sne.s32 s1, $0x0;
	_ =	strace $0x90000047  }
0x34f: {  	s0 =	sadd.s32 @!p0 $0x100000, s0;
	[bflag:$0x2] =	sbarrier.arrive $0xFFFF  }
0x350: {  	[sflag:s0] =	ssyncadd.tile.s32 @!p0 $0x1;
	_ =	shalt  }
.Lfunc_end2:
_tile_overlayer_lowered:
.L_overlay_start_2:
0x351: {  	(tag) =	ssettag $0x2  }
0x352: {  	s0 =	rddreg [dreg:$0x0];
	s2 =	stileid.u32  }
0x353: {  	s1 =	rddreg [dreg:$0x1];
	p0 =	sne.s32 s2, $0x0  }
0x354: {  	s3 =	rddreg [dreg:$0x2];
	[bflag:$0x3] =	sbarrier.arrive $0xFFFF;
	s2 =	simm.s32 @!p0 $0x1C01  }
0x355: {  	[timem:s3], [sflag:s2] =	dma.local @!p0 [hbm:s0], s1  }
0x356: {  	s0 =	simm.s32 @!p0 $0x1  }
0x357: {  	_ =	swait.ge @!p0 [sflag:s0], s1  }
0x358: {  	s1 =	ssub.s32 @!p0 $0x0, s1;
	[sflag:s0] =	ssyncset.done @!p0 $0x0  }
0x359: {  	[sflag:s0] =	ssyncadd.s32 @!p0 s1  }
0x35a: {  	[bflag:$0x3] =	sbarrier.arrive $0xFFFF  }
0x35b: {  	_ =	shalt  }

</sc_bundles>
